<compile_context>
chip_gen: v7x
topology: tpu7x:2x2x1
jax: 0.10.2.dev20260603
libtpu: 0.0.44.dev20260713+nightly
codegen_flags: <defaults>
</compile_context>

<pallas_src>
import functools

import jax
import jax.numpy as jnp
from jax import lax
from jax.experimental import pallas as pl
from jax.experimental.pallas import tpu as pltpu
from jax.experimental.pallas import tpu_sc as plsc

_N_EDGES = 320000
_D = 128
_L = 16
_NC = 2
_NS = 16
_NW = _NC * _NS
_EPW = _N_EDGES // _NW
_CE = 80
_NCH = _EPW // _CE
_NSLOT = 4


def _make_sc_kernel():
  mesh = plsc.VectorSubcoreMesh(core_axis_name="c", subcore_axis_name="s")

  @functools.partial(
      pl.kernel,
      out_type=jax.ShapeDtypeStruct((_NW, _L), jnp.float32),
      mesh=mesh,
      scratch_types=[
          pltpu.VMEM((_EPW,), jnp.int32),
          pltpu.VMEM((_EPW,), jnp.int32),
          pltpu.VMEM((_EPW,), jnp.float32),
          pltpu.VMEM((_NSLOT, _CE, _D), jnp.float32),
          pltpu.VMEM((_NSLOT, _CE, _D), jnp.float32),
          pltpu.VMEM((_L,), jnp.float32),
          pltpu.SemaphoreType.DMA,
          pltpu.SemaphoreType.DMA,
          pltpu.SemaphoreType.DMA,
          pltpu.SemaphoreType.DMA,
      ],
  )
  def energy_kernel(state_hbm, ind_i_hbm, ind_j_hbm, w_hbm, out_hbm,
                    idx_i_v, idx_j_v, w_v, rows_i_v, rows_j_v,
                    out_v, sem0, sem1, sem2, sem3):
    wid = lax.axis_index("s") * _NC + lax.axis_index("c")
    base0 = wid * _EPW

    pltpu.sync_copy(ind_i_hbm.at[pl.ds(base0, _EPW)], idx_i_v)
    pltpu.sync_copy(ind_j_hbm.at[pl.ds(base0, _EPW)], idx_j_v)
    pltpu.sync_copy(w_hbm.at[pl.ds(base0, _EPW)], w_v)

    sems = (sem0, sem1, sem2, sem3)

    def start(ci, slot):
      ib = idx_i_v.at[pl.ds(ci * _CE, _CE)]
      jb = idx_j_v.at[pl.ds(ci * _CE, _CE)]
      pltpu.async_copy(state_hbm.at[ib], rows_i_v.at[slot], sems[slot])
      pltpu.async_copy(state_hbm.at[jb], rows_j_v.at[slot], sems[slot])

    def wait(slot):
      pltpu.make_async_copy(
          state_hbm.at[idx_i_v.at[pl.ds(0, _CE)]],
          rows_i_v.at[slot], sems[slot]).wait()
      pltpu.make_async_copy(
          state_hbm.at[idx_j_v.at[pl.ds(0, _CE)]],
          rows_j_v.at[slot], sems[slot]).wait()

    def compute(slot, wbase, acc):
      rows_i = rows_i_v.at[slot]
      rows_j = rows_j_v.at[slot]

      @plsc.parallel_loop(0, _CE, carry=acc, unroll=4)
      def final_acc(e, a):
        wvec = w_v[pl.ds(wbase + (e // _L) * _L, _L)]
        we = jnp.take_along_axis(
            wvec, jnp.full((_L,), e % _L, jnp.int32), axis=0)
        prods = [rows_i[e, pl.ds(k * _L, _L)] * rows_j[e, pl.ds(k * _L, _L)]
                 for k in range(_D // _L)]
        while len(prods) > 1:
          prods = [prods[m] + prods[m + 1] for m in range(0, len(prods) - 1, 2)
                  ] + (prods[-1:] if len(prods) % 2 else [])
        return a + prods[0] * we

      return final_acc

    for p in range(_NSLOT - 1):
      start(p, p)
    acc0 = jnp.zeros((_L,), jnp.float32)

    def outer(t, acc):
      for u in range(_NSLOT):
        ci = t * _NSLOT + u

        @pl.when(ci + _NSLOT - 1 < _NCH)
        def _():
          start(ci + _NSLOT - 1, (u + _NSLOT - 1) % _NSLOT)

        wait(u)
        acc = compute(u, ci * _CE, acc)
      return acc

    acc = lax.fori_loop(0, (_NCH - 1) // _NSLOT, outer, acc0)
    ci_last = _NCH - 1
    wait(ci_last % _NSLOT)
    acc = compute(ci_last % _NSLOT, ci_last * _CE, acc)

    out_v[...] = acc
    pltpu.sync_copy(out_v, out_hbm.at[wid])

  return energy_kernel


_sc_energy = _make_sc_kernel()


def kernel(state, ind, weights):
  partials = _sc_energy(state, ind[:, 0], ind[:, 1], weights)
  return jnp.sum(partials)

# --- scband reference (transcript-rebuilt; emitter-appended) ---
"""Pipeline reference for scband-linear-interaction-18425409699983 (READ-ONLY COPY).

The authoritative reference and input builder live on the scoring server;
editing this copy changes nothing except your own understanding.
"""

import jax, jax.numpy as jnp
import numpy as np

N_NODES = 10000
D_FEAT = 128
N_EDGES = 320000
EPS = 0.01


def setup_inputs(seed: int = 0) -> dict:
    key = jax.random.key(seed)
    k1, k2, k3 = jax.random.split(key, 3)
    state = jax.random.normal(k1, (N_NODES, D_FEAT), dtype=jnp.float32)
    ind = jax.random.randint(k2, (N_EDGES, 2), 0, N_NODES)
    # learned parameter: weights = eps * normal(key, (N_weights,))
    weights = EPS * jax.random.normal(k3, (N_EDGES,), dtype=jnp.float32)
    return {"state": state, "ind": ind, "weights": weights}


def reference(state, ind, weights):
    # Faithful translation of linear_interaction.energy(state, ind):
    # gather both endpoint node features per edge, elementwise multiply,
    # reduce over feature dim, then weighted sum over edges.
    products = jnp.sum(state[ind[:, 0]] * state[ind[:, 1]], axis=1)
    return jnp.sum(weights * products)

if __name__ == "__main__":
    import jax
    _d = setup_inputs()
    print(jax.jit(kernel)(*tuple(_d.values())))

</pallas_src>

<mosaic_0001>
#map = affine_map<(d0, d1) -> (0, 0)>
#map1 = affine_map<(d0, d1) -> (0)>
module attributes {stable_mosaic.version = 14 : i64} {
  func.func @energy_kernel(%arg0: i32, %arg1: i32, %arg2: memref<10000x128xf32, #tpu.memory_space<hbm>>, %arg3: memref<320000xi32, #tpu.memory_space<hbm>>, %arg4: memref<320000xi32, #tpu.memory_space<hbm>>, %arg5: memref<320000xf32, #tpu.memory_space<hbm>>, %arg6: memref<32x16xf32, #tpu.memory_space<hbm>>, %arg7: memref<10000xi32, #tpu.memory_space<vmem>>, %arg8: memref<10000xi32, #tpu.memory_space<vmem>>, %arg9: memref<10000xf32, #tpu.memory_space<vmem>>, %arg10: memref<4x80x128xf32, #tpu.memory_space<vmem>>, %arg11: memref<4x80x128xf32, #tpu.memory_space<vmem>>, %arg12: memref<16xf32, #tpu.memory_space<vmem>>, %arg13: memref<!tpu.dma_semaphore, #tpu.memory_space<semaphore_mem>>, %arg14: memref<!tpu.dma_semaphore, #tpu.memory_space<semaphore_mem>>, %arg15: memref<!tpu.dma_semaphore, #tpu.memory_space<semaphore_mem>>, %arg16: memref<!tpu.dma_semaphore, #tpu.memory_space<semaphore_mem>>) attributes {dimension_semantics = [#tpu.dimension_semantics<core_parallel>, #tpu.dimension_semantics<subcore_parallel>], iteration_bounds = array<i64: 2, 16>, scalar_prefetch = 0 : i64, scratch_operands = 10 : i64, tpu.core_type = #tpu.core_type<sc_vector_subcore>, window_params = [{transform_indices = #map}, {transform_indices = #map1}, {transform_indices = #map1}, {transform_indices = #map1}, {transform_indices = #map}]} {
    %mul3A = arith.constant 2 : i32
    %mul3A_0 = arith.muli %arg1, %mul3A : i32
    %add3A = arith.addi %mul3A_0, %arg0 : i32
    %mul3A_1 = arith.constant 10000 : i32
    %mul3A_2 = arith.muli %add3A, %mul3A_1 : i32
    "tpu.region"() ({
      %run_scoped3A = tpu.sem_alloc : memref<!tpu.dma_semaphore, #tpu.memory_space<semaphore_mem>>
      %dma_start3A_95 = tpu.memref_slice %arg3[%mul3A_2] : memref<320000xi32, #tpu.memory_space<hbm>> -> memref<10000xi32, #tpu.memory_space<hbm>>
      %dma_start3A_96 = tpu.memref_slice %arg3[%mul3A_2] : memref<320000xi32, #tpu.memory_space<hbm>> -> memref<10000xi32, #tpu.memory_space<hbm>>
      tpu.enqueue_dma source(%dma_start3A_96 : memref<10000xi32, #tpu.memory_space<hbm>>) target(%arg7 : memref<10000xi32, #tpu.memory_space<vmem>>) target_semaphore(%run_scoped3A : memref<!tpu.dma_semaphore, #tpu.memory_space<semaphore_mem>>)
      %dma_wait3A_97 = tpu.memref_slice %arg3[%mul3A_2] : memref<320000xi32, #tpu.memory_space<hbm>> -> memref<10000xi32, #tpu.memory_space<hbm>>
      %dma_wait3A_98 = tpu.memref_slice %arg3[%mul3A_2] : memref<320000xi32, #tpu.memory_space<hbm>> -> memref<10000xi32, #tpu.memory_space<hbm>>
      tpu.wait_dma2 semaphore(%run_scoped3A : memref<!tpu.dma_semaphore, #tpu.memory_space<semaphore_mem>>) src(%dma_wait3A_98 : memref<10000xi32, #tpu.memory_space<hbm>>) dst(%arg7 : memref<10000xi32, #tpu.memory_space<vmem>>)
      tpu.yield
    }) : () -> ()
    "tpu.region"() ({
      %run_scoped3A = tpu.sem_alloc : memref<!tpu.dma_semaphore, #tpu.memory_space<semaphore_mem>>
      %dma_start3A_95 = tpu.memref_slice %arg4[%mul3A_2] : memref<320000xi32, #tpu.memory_space<hbm>> -> memref<10000xi32, #tpu.memory_space<hbm>>
      %dma_start3A_96 = tpu.memref_slice %arg4[%mul3A_2] : memref<320000xi32, #tpu.memory_space<hbm>> -> memref<10000xi32, #tpu.memory_space<hbm>>
      tpu.enqueue_dma source(%dma_start3A_96 : memref<10000xi32, #tpu.memory_space<hbm>>) target(%arg8 : memref<10000xi32, #tpu.memory_space<vmem>>) target_semaphore(%run_scoped3A : memref<!tpu.dma_semaphore, #tpu.memory_space<semaphore_mem>>)
      %dma_wait3A_97 = tpu.memref_slice %arg4[%mul3A_2] : memref<320000xi32, #tpu.memory_space<hbm>> -> memref<10000xi32, #tpu.memory_space<hbm>>
      %dma_wait3A_98 = tpu.memref_slice %arg4[%mul3A_2] : memref<320000xi32, #tpu.memory_space<hbm>> -> memref<10000xi32, #tpu.memory_space<hbm>>
      tpu.wait_dma2 semaphore(%run_scoped3A : memref<!tpu.dma_semaphore, #tpu.memory_space<semaphore_mem>>) src(%dma_wait3A_98 : memref<10000xi32, #tpu.memory_space<hbm>>) dst(%arg8 : memref<10000xi32, #tpu.memory_space<vmem>>)
      tpu.yield
    }) : () -> ()
    "tpu.region"() ({
      %run_scoped3A = tpu.sem_alloc : memref<!tpu.dma_semaphore, #tpu.memory_space<semaphore_mem>>
      %dma_start3A_95 = tpu.memref_slice %arg5[%mul3A_2] : memref<320000xf32, #tpu.memory_space<hbm>> -> memref<10000xf32, #tpu.memory_space<hbm>>
      %dma_start3A_96 = tpu.memref_slice %arg5[%mul3A_2] : memref<320000xf32, #tpu.memory_space<hbm>> -> memref<10000xf32, #tpu.memory_space<hbm>>
      tpu.enqueue_dma source(%dma_start3A_96 : memref<10000xf32, #tpu.memory_space<hbm>>) target(%arg9 : memref<10000xf32, #tpu.memory_space<vmem>>) target_semaphore(%run_scoped3A : memref<!tpu.dma_semaphore, #tpu.memory_space<semaphore_mem>>)
      %dma_wait3A_97 = tpu.memref_slice %arg5[%mul3A_2] : memref<320000xf32, #tpu.memory_space<hbm>> -> memref<10000xf32, #tpu.memory_space<hbm>>
      %dma_wait3A_98 = tpu.memref_slice %arg5[%mul3A_2] : memref<320000xf32, #tpu.memory_space<hbm>> -> memref<10000xf32, #tpu.memory_space<hbm>>
      tpu.wait_dma2 semaphore(%run_scoped3A : memref<!tpu.dma_semaphore, #tpu.memory_space<semaphore_mem>>) src(%dma_wait3A_98 : memref<10000xf32, #tpu.memory_space<hbm>>) dst(%arg9 : memref<10000xf32, #tpu.memory_space<vmem>>)
      tpu.yield
    }) : () -> ()
    %dma_start3A = arith.constant 0 : i32
    %dma_start3A_3 = arith.constant 0 : i32
    %dma_start3A_4 = arith.constant 0 : i32
    %dma_start3A_5 = tpu.memref_slice %arg10[%dma_start3A, %dma_start3A_3, %dma_start3A_4] : memref<4x80x128xf32, #tpu.memory_space<vmem>> -> memref<1x80x128xf32, #tpu.memory_space<vmem>>
    %dma_start3A_6 = tpu.memref_squeeze %dma_start3A_5 : memref<1x80x128xf32, #tpu.memory_space<vmem>> -> memref<80x128xf32, #tpu.memory_space<vmem>>
    %dma_start3A_7 = arith.constant 0 : i32
    %dma_start3A_8 = tpu.memref_slice %arg7[%dma_start3A_7] : memref<10000xi32, #tpu.memory_space<vmem>> -> memref<80xi32, #tpu.memory_space<vmem>>
    %dma_start3A_9 = arith.constant 0 : i32
    %dma_start3A_10 = arith.constant 0 : i32
    %dma_start3A_11 = tpu.memref_slice %arg2[%dma_start3A_9, %dma_start3A_10] : memref<10000x128xf32, #tpu.memory_space<hbm>> -> memref<10000x128xf32, #tpu.memory_space<hbm>>
    tpu.enqueue_indirect_dma source(%dma_start3A_11 : memref<10000x128xf32, #tpu.memory_space<hbm>>) target(%dma_start3A_6 : memref<80x128xf32, #tpu.memory_space<vmem>>) offsets(%dma_start3A_8 : memref<80xi32, #tpu.memory_space<vmem>>) semaphore(%arg13 : memref<!tpu.dma_semaphore, #tpu.memory_space<semaphore_mem>>)
    %dma_start3A_12 = arith.constant 0 : i32
    %dma_start3A_13 = arith.constant 0 : i32
    %dma_start3A_14 = arith.constant 0 : i32
    %dma_start3A_15 = tpu.memref_slice %arg11[%dma_start3A_12, %dma_start3A_13, %dma_start3A_14] : memref<4x80x128xf32, #tpu.memory_space<vmem>> -> memref<1x80x128xf32, #tpu.memory_space<vmem>>
    %dma_start3A_16 = tpu.memref_squeeze %dma_start3A_15 : memref<1x80x128xf32, #tpu.memory_space<vmem>> -> memref<80x128xf32, #tpu.memory_space<vmem>>
    %dma_start3A_17 = arith.constant 0 : i32
    %dma_start3A_18 = tpu.memref_slice %arg8[%dma_start3A_17] : memref<10000xi32, #tpu.memory_space<vmem>> -> memref<80xi32, #tpu.memory_space<vmem>>
    %dma_start3A_19 = arith.constant 0 : i32
    %dma_start3A_20 = arith.constant 0 : i32
    %dma_start3A_21 = tpu.memref_slice %arg2[%dma_start3A_19, %dma_start3A_20] : memref<10000x128xf32, #tpu.memory_space<hbm>> -> memref<10000x128xf32, #tpu.memory_space<hbm>>
    tpu.enqueue_indirect_dma source(%dma_start3A_21 : memref<10000x128xf32, #tpu.memory_space<hbm>>) target(%dma_start3A_16 : memref<80x128xf32, #tpu.memory_space<vmem>>) offsets(%dma_start3A_18 : memref<80xi32, #tpu.memory_space<vmem>>) semaphore(%arg13 : memref<!tpu.dma_semaphore, #tpu.memory_space<semaphore_mem>>)
    %dma_start3A_22 = arith.constant 1 : i32
    %dma_start3A_23 = arith.constant 0 : i32
    %dma_start3A_24 = arith.constant 0 : i32
    %dma_start3A_25 = tpu.memref_slice %arg10[%dma_start3A_22, %dma_start3A_23, %dma_start3A_24] : memref<4x80x128xf32, #tpu.memory_space<vmem>> -> memref<1x80x128xf32, #tpu.memory_space<vmem>>
    %dma_start3A_26 = tpu.memref_squeeze %dma_start3A_25 : memref<1x80x128xf32, #tpu.memory_space<vmem>> -> memref<80x128xf32, #tpu.memory_space<vmem>>
    %dma_start3A_27 = arith.constant 80 : i32
    %dma_start3A_28 = tpu.memref_slice %arg7[%dma_start3A_27] : memref<10000xi32, #tpu.memory_space<vmem>> -> memref<80xi32, #tpu.memory_space<vmem>>
    %dma_start3A_29 = arith.constant 0 : i32
    %dma_start3A_30 = arith.constant 0 : i32
    %dma_start3A_31 = tpu.memref_slice %arg2[%dma_start3A_29, %dma_start3A_30] : memref<10000x128xf32, #tpu.memory_space<hbm>> -> memref<10000x128xf32, #tpu.memory_space<hbm>>
    tpu.enqueue_indirect_dma source(%dma_start3A_31 : memref<10000x128xf32, #tpu.memory_space<hbm>>) target(%dma_start3A_26 : memref<80x128xf32, #tpu.memory_space<vmem>>) offsets(%dma_start3A_28 : memref<80xi32, #tpu.memory_space<vmem>>) semaphore(%arg14 : memref<!tpu.dma_semaphore, #tpu.memory_space<semaphore_mem>>)
    %dma_start3A_32 = arith.constant 1 : i32
    %dma_start3A_33 = arith.constant 0 : i32
    %dma_start3A_34 = arith.constant 0 : i32
    %dma_start3A_35 = tpu.memref_slice %arg11[%dma_start3A_32, %dma_start3A_33, %dma_start3A_34] : memref<4x80x128xf32, #tpu.memory_space<vmem>> -> memref<1x80x128xf32, #tpu.memory_space<vmem>>
    %dma_start3A_36 = tpu.memref_squeeze %dma_start3A_35 : memref<1x80x128xf32, #tpu.memory_space<vmem>> -> memref<80x128xf32, #tpu.memory_space<vmem>>
    %dma_start3A_37 = arith.constant 80 : i32
    %dma_start3A_38 = tpu.memref_slice %arg8[%dma_start3A_37] : memref<10000xi32, #tpu.memory_space<vmem>> -> memref<80xi32, #tpu.memory_space<vmem>>
    %dma_start3A_39 = arith.constant 0 : i32
    %dma_start3A_40 = arith.constant 0 : i32
    %dma_start3A_41 = tpu.memref_slice %arg2[%dma_start3A_39, %dma_start3A_40] : memref<10000x128xf32, #tpu.memory_space<hbm>> -> memref<10000x128xf32, #tpu.memory_space<hbm>>
    tpu.enqueue_indirect_dma source(%dma_start3A_41 : memref<10000x128xf32, #tpu.memory_space<hbm>>) target(%dma_start3A_36 : memref<80x128xf32, #tpu.memory_space<vmem>>) offsets(%dma_start3A_38 : memref<80xi32, #tpu.memory_space<vmem>>) semaphore(%arg14 : memref<!tpu.dma_semaphore, #tpu.memory_space<semaphore_mem>>)
    %dma_start3A_42 = arith.constant 2 : i32
    %dma_start3A_43 = arith.constant 0 : i32
    %dma_start3A_44 = arith.constant 0 : i32
    %dma_start3A_45 = tpu.memref_slice %arg10[%dma_start3A_42, %dma_start3A_43, %dma_start3A_44] : memref<4x80x128xf32, #tpu.memory_space<vmem>> -> memref<1x80x128xf32, #tpu.memory_space<vmem>>
    %dma_start3A_46 = tpu.memref_squeeze %dma_start3A_45 : memref<1x80x128xf32, #tpu.memory_space<vmem>> -> memref<80x128xf32, #tpu.memory_space<vmem>>
    %dma_start3A_47 = arith.constant 160 : i32
    %dma_start3A_48 = tpu.memref_slice %arg7[%dma_start3A_47] : memref<10000xi32, #tpu.memory_space<vmem>> -> memref<80xi32, #tpu.memory_space<vmem>>
    %dma_start3A_49 = arith.constant 0 : i32
    %dma_start3A_50 = arith.constant 0 : i32
    %dma_start3A_51 = tpu.memref_slice %arg2[%dma_start3A_49, %dma_start3A_50] : memref<10000x128xf32, #tpu.memory_space<hbm>> -> memref<10000x128xf32, #tpu.memory_space<hbm>>
    tpu.enqueue_indirect_dma source(%dma_start3A_51 : memref<10000x128xf32, #tpu.memory_space<hbm>>) target(%dma_start3A_46 : memref<80x128xf32, #tpu.memory_space<vmem>>) offsets(%dma_start3A_48 : memref<80xi32, #tpu.memory_space<vmem>>) semaphore(%arg15 : memref<!tpu.dma_semaphore, #tpu.memory_space<semaphore_mem>>)
    %dma_start3A_52 = arith.constant 2 : i32
    %dma_start3A_53 = arith.constant 0 : i32
    %dma_start3A_54 = arith.constant 0 : i32
    %dma_start3A_55 = tpu.memref_slice %arg11[%dma_start3A_52, %dma_start3A_53, %dma_start3A_54] : memref<4x80x128xf32, #tpu.memory_space<vmem>> -> memref<1x80x128xf32, #tpu.memory_space<vmem>>
    %dma_start3A_56 = tpu.memref_squeeze %dma_start3A_55 : memref<1x80x128xf32, #tpu.memory_space<vmem>> -> memref<80x128xf32, #tpu.memory_space<vmem>>
    %dma_start3A_57 = arith.constant 160 : i32
    %dma_start3A_58 = tpu.memref_slice %arg8[%dma_start3A_57] : memref<10000xi32, #tpu.memory_space<vmem>> -> memref<80xi32, #tpu.memory_space<vmem>>
    %dma_start3A_59 = arith.constant 0 : i32
    %dma_start3A_60 = arith.constant 0 : i32
    %dma_start3A_61 = tpu.memref_slice %arg2[%dma_start3A_59, %dma_start3A_60] : memref<10000x128xf32, #tpu.memory_space<hbm>> -> memref<10000x128xf32, #tpu.memory_space<hbm>>
    tpu.enqueue_indirect_dma source(%dma_start3A_61 : memref<10000x128xf32, #tpu.memory_space<hbm>>) target(%dma_start3A_56 : memref<80x128xf32, #tpu.memory_space<vmem>>) offsets(%dma_start3A_58 : memref<80xi32, #tpu.memory_space<vmem>>) semaphore(%arg15 : memref<!tpu.dma_semaphore, #tpu.memory_space<semaphore_mem>>)
    %broadcast_in_dim3A = arith.constant 0.000000e+00 : f32
    %broadcast_in_dim3A_62 = vector.broadcast %broadcast_in_dim3A : f32 to vector<16xf32>
    %scan3A = arith.constant 0 : i32
    %scan3A_63 = arith.constant 31 : i32
    %scan3A_64 = arith.addi %scan3A, %scan3A_63 : i32
    %scan3A_65 = arith.constant 1 : i32
    %scan3A_66 = scf.for %scan3A_95 = %scan3A to %scan3A_64 step %scan3A_65 iter_args(%scan3A_96 = %broadcast_in_dim3A_62) -> (vector<16xf32>)  : i32 {
      %mul3A_97 = arith.constant 4 : i32
      %mul3A_98 = arith.muli %scan3A_95, %mul3A_97 : i32
      %add3A_99 = arith.constant 0 : i32
      %add3A_100 = arith.addi %mul3A_98, %add3A_99 : i32
      %add3A_101 = arith.constant 4 : i32
      %add3A_102 = arith.addi %add3A_100, %add3A_101 : i32
      %sub3A = arith.constant 1 : i32
      %sub3A_103 = arith.subi %add3A_102, %sub3A : i32
      %lt3A = arith.constant 125 : i32
      %lt3A_104 = arith.cmpi slt, %sub3A_103, %lt3A : i32
      %convert_element_type3A = arith.extui %lt3A_104 : i1 to i32
      %cond3A = arith.constant 0 : i32
      %cond3A_105 = arith.cmpi ne, %convert_element_type3A, %cond3A : i32
      scf.if %cond3A_105 {
        %add3A_257 = arith.constant 4 : i32
        %add3A_258 = arith.addi %add3A_100, %add3A_257 : i32
        %sub3A_259 = arith.constant 1 : i32
        %sub3A_260 = arith.subi %add3A_258, %sub3A_259 : i32
        %mul3A_261 = arith.constant 80 : i32
        %mul3A_262 = arith.muli %sub3A_260, %mul3A_261 : i32
        %mul3A_263 = arith.constant 80 : i32
        %mul3A_264 = arith.muli %sub3A_260, %mul3A_263 : i32
        %dma_start3A_265 = arith.constant 3 : i32
        %dma_start3A_266 = arith.constant 0 : i32
        %dma_start3A_267 = arith.constant 0 : i32
        %dma_start3A_268 = tpu.memref_slice %arg10[%dma_start3A_265, %dma_start3A_266, %dma_start3A_267] : memref<4x80x128xf32, #tpu.memory_space<vmem>> -> memref<1x80x128xf32, #tpu.memory_space<vmem>>
        %dma_start3A_269 = tpu.memref_squeeze %dma_start3A_268 : memref<1x80x128xf32, #tpu.memory_space<vmem>> -> memref<80x128xf32, #tpu.memory_space<vmem>>
        %dma_start3A_270 = tpu.memref_slice %arg7[%mul3A_262] : memref<10000xi32, #tpu.memory_space<vmem>> -> memref<80xi32, #tpu.memory_space<vmem>>
        %dma_start3A_271 = arith.constant 0 : i32
        %dma_start3A_272 = arith.constant 0 : i32
        %dma_start3A_273 = tpu.memref_slice %arg2[%dma_start3A_271, %dma_start3A_272] : memref<10000x128xf32, #tpu.memory_space<hbm>> -> memref<10000x128xf32, #tpu.memory_space<hbm>>
        tpu.enqueue_indirect_dma source(%dma_start3A_273 : memref<10000x128xf32, #tpu.memory_space<hbm>>) target(%dma_start3A_269 : memref<80x128xf32, #tpu.memory_space<vmem>>) offsets(%dma_start3A_270 : memref<80xi32, #tpu.memory_space<vmem>>) semaphore(%arg16 : memref<!tpu.dma_semaphore, #tpu.memory_space<semaphore_mem>>)
        %dma_start3A_274 = arith.constant 3 : i32
        %dma_start3A_275 = arith.constant 0 : i32
        %dma_start3A_276 = arith.constant 0 : i32
        %dma_start3A_277 = tpu.memref_slice %arg11[%dma_start3A_274, %dma_start3A_275, %dma_start3A_276] : memref<4x80x128xf32, #tpu.memory_space<vmem>> -> memref<1x80x128xf32, #tpu.memory_space<vmem>>
        %dma_start3A_278 = tpu.memref_squeeze %dma_start3A_277 : memref<1x80x128xf32, #tpu.memory_space<vmem>> -> memref<80x128xf32, #tpu.memory_space<vmem>>
        %dma_start3A_279 = tpu.memref_slice %arg8[%mul3A_264] : memref<10000xi32, #tpu.memory_space<vmem>> -> memref<80xi32, #tpu.memory_space<vmem>>
        %dma_start3A_280 = arith.constant 0 : i32
        %dma_start3A_281 = arith.constant 0 : i32
        %dma_start3A_282 = tpu.memref_slice %arg2[%dma_start3A_280, %dma_start3A_281] : memref<10000x128xf32, #tpu.memory_space<hbm>> -> memref<10000x128xf32, #tpu.memory_space<hbm>>
        tpu.enqueue_indirect_dma source(%dma_start3A_282 : memref<10000x128xf32, #tpu.memory_space<hbm>>) target(%dma_start3A_278 : memref<80x128xf32, #tpu.memory_space<vmem>>) offsets(%dma_start3A_279 : memref<80xi32, #tpu.memory_space<vmem>>) semaphore(%arg16 : memref<!tpu.dma_semaphore, #tpu.memory_space<semaphore_mem>>)
      } else {
      }
      %dma_wait3A_106 = arith.constant 0 : i32
      %dma_wait3A_107 = arith.constant 0 : i32
      %dma_wait3A_108 = arith.constant 0 : i32
      %dma_wait3A_109 = tpu.memref_slice %arg10[%dma_wait3A_106, %dma_wait3A_107, %dma_wait3A_108] : memref<4x80x128xf32, #tpu.memory_space<vmem>> -> memref<1x80x128xf32, #tpu.memory_space<vmem>>
      %dma_wait3A_110 = tpu.memref_squeeze %dma_wait3A_109 : memref<1x80x128xf32, #tpu.memory_space<vmem>> -> memref<80x128xf32, #tpu.memory_space<vmem>>
      %dma_wait3A_111 = arith.constant 0 : i32
      %dma_wait3A_112 = tpu.memref_slice %arg7[%dma_wait3A_111] : memref<10000xi32, #tpu.memory_space<vmem>> -> memref<80xi32, #tpu.memory_space<vmem>>
      %dma_wait3A_113 = arith.constant 0 : i32
      %dma_wait3A_114 = arith.constant 0 : i32
      %dma_wait3A_115 = tpu.memref_slice %arg2[%dma_wait3A_113, %dma_wait3A_114] : memref<10000x128xf32, #tpu.memory_space<hbm>> -> memref<10000x128xf32, #tpu.memory_space<hbm>>
      tpu.wait_indirect_dma semaphore(%arg13 : memref<!tpu.dma_semaphore, #tpu.memory_space<semaphore_mem>>) src(%dma_wait3A_115 : memref<10000x128xf32, #tpu.memory_space<hbm>>) dst(%dma_wait3A_110 : memref<80x128xf32, #tpu.memory_space<vmem>>)
      %dma_wait3A_116 = arith.constant 0 : i32
      %dma_wait3A_117 = arith.constant 0 : i32
      %dma_wait3A_118 = arith.constant 0 : i32
      %dma_wait3A_119 = tpu.memref_slice %arg11[%dma_wait3A_116, %dma_wait3A_117, %dma_wait3A_118] : memref<4x80x128xf32, #tpu.memory_space<vmem>> -> memref<1x80x128xf32, #tpu.memory_space<vmem>>
      %dma_wait3A_120 = tpu.memref_squeeze %dma_wait3A_119 : memref<1x80x128xf32, #tpu.memory_space<vmem>> -> memref<80x128xf32, #tpu.memory_space<vmem>>
      %dma_wait3A_121 = arith.constant 0 : i32
      %dma_wait3A_122 = tpu.memref_slice %arg8[%dma_wait3A_121] : memref<10000xi32, #tpu.memory_space<vmem>> -> memref<80xi32, #tpu.memory_space<vmem>>
      %dma_wait3A_123 = arith.constant 0 : i32
      %dma_wait3A_124 = arith.constant 0 : i32
      %dma_wait3A_125 = tpu.memref_slice %arg2[%dma_wait3A_123, %dma_wait3A_124] : memref<10000x128xf32, #tpu.memory_space<hbm>> -> memref<10000x128xf32, #tpu.memory_space<hbm>>
      tpu.wait_indirect_dma semaphore(%arg13 : memref<!tpu.dma_semaphore, #tpu.memory_space<semaphore_mem>>) src(%dma_wait3A_125 : memref<10000x128xf32, #tpu.memory_space<hbm>>) dst(%dma_wait3A_120 : memref<80x128xf32, #tpu.memory_space<vmem>>)
      %mul3A_126 = arith.constant 80 : i32
      %mul3A_127 = arith.muli %add3A_100, %mul3A_126 : i32
      %parallel_loop3A_128 = arith.constant 0 : i32
      %parallel_loop3A_129 = arith.constant 80 : i32
      %parallel_loop3A_130 = arith.constant 1 : i32
      %parallel_loop3A_131 = arith.constant 0 : i32
      %parallel_loop3A_132 = arith.constant 0 : i32
      %parallel_loop3A_133 = scf.for %parallel_loop3A_257 = %parallel_loop3A_128 to %parallel_loop3A_129 step %parallel_loop3A_130 iter_args(%parallel_loop3A_258 = %scan3A_96) -> (vector<16xf32>)  : i32 {
        %parallel_loop3A_259 = arith.constant 16 : i32
        %parallel_loop3A_260 = arith.divsi %parallel_loop3A_257, %parallel_loop3A_259 : i32
        %parallel_loop3A_261 = arith.constant 0 : i32
        %parallel_loop3A_262 = arith.cmpi sgt, %parallel_loop3A_257, %parallel_loop3A_261 : i32
        %parallel_loop3A_263 = arith.extui %parallel_loop3A_262 : i1 to i32
        %parallel_loop3A_264 = arith.constant 0 : i32
        %parallel_loop3A_265 = arith.cmpi slt, %parallel_loop3A_257, %parallel_loop3A_264 : i32
        %parallel_loop3A_266 = arith.extui %parallel_loop3A_265 : i1 to i32
        %parallel_loop3A_267 = arith.subi %parallel_loop3A_263, %parallel_loop3A_266 : i32
        %parallel_loop3A_268 = arith.constant 0 : i32
        %parallel_loop3A_269 = arith.cmpi sgt, %parallel_loop3A_259, %parallel_loop3A_268 : i32
        %parallel_loop3A_270 = arith.extui %parallel_loop3A_269 : i1 to i32
        %parallel_loop3A_271 = arith.constant 0 : i32
        %parallel_loop3A_272 = arith.cmpi slt, %parallel_loop3A_259, %parallel_loop3A_271 : i32
        %parallel_loop3A_273 = arith.extui %parallel_loop3A_272 : i1 to i32
        %parallel_loop3A_274 = arith.subi %parallel_loop3A_270, %parallel_loop3A_273 : i32
        %parallel_loop3A_275 = arith.cmpi ne, %parallel_loop3A_267, %parallel_loop3A_274 : i32
        %parallel_loop3A_276 = arith.remsi %parallel_loop3A_257, %parallel_loop3A_259 : i32
        %parallel_loop3A_277 = arith.constant 0 : i32
        %parallel_loop3A_278 = arith.cmpi ne, %parallel_loop3A_276, %parallel_loop3A_277 : i32
        %parallel_loop3A_279 = arith.andi %parallel_loop3A_275, %parallel_loop3A_278 : i1
        %parallel_loop3A_280 = arith.constant 1 : i32
        %parallel_loop3A_281 = arith.subi %parallel_loop3A_260, %parallel_loop3A_280 : i32
        %parallel_loop3A_282 = arith.select %parallel_loop3A_279, %parallel_loop3A_281, %parallel_loop3A_260 : i32
        %parallel_loop3A_283 = arith.constant 16 : i32
        %parallel_loop3A_284 = arith.muli %parallel_loop3A_282, %parallel_loop3A_283 : i32
        %parallel_loop3A_285 = arith.addi %mul3A_127, %parallel_loop3A_284 : i32
        %parallel_loop3A_286 = arith.index_cast %parallel_loop3A_285 : i32 to index
        %parallel_loop3A_287 = tpu.vector_load %arg9[%parallel_loop3A_286] {strides = array<i32>} : memref<10000xf32, #tpu.memory_space<vmem>>, vector<16xf32>,
        %parallel_loop3A_288 = vector.shape_cast %parallel_loop3A_287 : vector<16xf32> to vector<16xf32>
        %parallel_loop3A_289 = arith.constant 16 : i32
        %parallel_loop3A_290 = arith.constant 0 : i32
        %parallel_loop3A_291 = arith.cmpi eq, %parallel_loop3A_289, %parallel_loop3A_290 : i32
        %parallel_loop3A_292 = arith.constant 1 : i32
        %parallel_loop3A_293 = arith.select %parallel_loop3A_291, %parallel_loop3A_292, %parallel_loop3A_289 : i32
        %parallel_loop3A_294 = arith.remsi %parallel_loop3A_257, %parallel_loop3A_293 : i32
        %parallel_loop3A_295 = arith.constant 0 : i32
        %parallel_loop3A_296 = arith.cmpi ne, %parallel_loop3A_294, %parallel_loop3A_295 : i32
        %parallel_loop3A_297 = arith.constant 0 : i32
        %parallel_loop3A_298 = arith.cmpi slt, %parallel_loop3A_294, %parallel_loop3A_297 : i32
        %parallel_loop3A_299 = arith.constant 0 : i32
        %parallel_loop3A_300 = arith.cmpi slt, %parallel_loop3A_293, %parallel_loop3A_299 : i32
        %parallel_loop3A_301 = arith.xori %parallel_loop3A_298, %parallel_loop3A_300 : i1
        %parallel_loop3A_302 = arith.andi %parallel_loop3A_301, %parallel_loop3A_296 : i1
        %parallel_loop3A_303 = arith.addi %parallel_loop3A_294, %parallel_loop3A_293 : i32
        %parallel_loop3A_304 = arith.select %parallel_loop3A_302, %parallel_loop3A_303, %parallel_loop3A_294 : i32
        %parallel_loop3A_305 = vector.broadcast %parallel_loop3A_304 : i32 to vector<16xi32>
        %parallel_loop3A_306 = arith.constant 0 : i32
        %parallel_loop3A_307 = vector.broadcast %parallel_loop3A_306 : i32 to vector<16xi32>
        %parallel_loop3A_308 = arith.cmpi slt, %parallel_loop3A_305, %parallel_loop3A_307 : vector<16xi32>
        %parallel_loop3A_309 = arith.constant 16 : i32
        %parallel_loop3A_310 = vector.broadcast %parallel_loop3A_309 : i32 to vector<16xi32>
        %parallel_loop3A_311 = arith.addi %parallel_loop3A_305, %parallel_loop3A_310 : vector<16xi32>
        %parallel_loop3A_312 = arith.select %parallel_loop3A_308, %parallel_loop3A_311, %parallel_loop3A_305 : vector<16xi1>, vector<16xi32>
        %parallel_loop3A_313 = vector.shape_cast %parallel_loop3A_312 : vector<16xi32> to vector<16x1xi32>
        %parallel_loop3A_314 = vector.shape_cast %parallel_loop3A_313 : vector<16x1xi32> to vector<16xi32>
        %parallel_loop3A_315 = tpu.dynamic_gather %parallel_loop3A_288[%parallel_loop3A_314] in [0] : vector<16xf32>, vector<16xi32> -> vector<16xf32>
        %parallel_loop3A_316 = arith.constant 0 : i32
        %parallel_loop3A_317 = arith.constant 0 : i32
        %parallel_loop3A_318 = tpu.memref_slice %arg10[%parallel_loop3A_131, %parallel_loop3A_316, %parallel_loop3A_317] : memref<4x80x128xf32, #tpu.memory_space<vmem>> -> memref<1x80x128xf32, #tpu.memory_space<vmem>>
        %parallel_loop3A_319 = tpu.memref_squeeze %parallel_loop3A_318 : memref<1x80x128xf32, #tpu.memory_space<vmem>> -> memref<80x128xf32, #tpu.memory_space<vmem>>
        %parallel_loop3A_320 = arith.index_cast %parallel_loop3A_257 : i32 to index
        %parallel_loop3A_321 = arith.constant 0 : index
        %parallel_loop3A_322 = tpu.vector_load %parallel_loop3A_319[%parallel_loop3A_320, %parallel_loop3A_321] {strides = array<i32>} : memref<80x128xf32, #tpu.memory_space<vmem>>, vector<1x16xf32>,
        %parallel_loop3A_323 = vector.shape_cast %parallel_loop3A_322 : vector<1x16xf32> to vector<16xf32>
        %parallel_loop3A_324 = arith.constant 0 : i32
        %parallel_loop3A_325 = arith.constant 0 : i32
        %parallel_loop3A_326 = tpu.memref_slice %arg11[%parallel_loop3A_132, %parallel_loop3A_324, %parallel_loop3A_325] : memref<4x80x128xf32, #tpu.memory_space<vmem>> -> memref<1x80x128xf32, #tpu.memory_space<vmem>>
        %parallel_loop3A_327 = tpu.memref_squeeze %parallel_loop3A_326 : memref<1x80x128xf32, #tpu.memory_space<vmem>> -> memref<80x128xf32, #tpu.memory_space<vmem>>
        %parallel_loop3A_328 = arith.index_cast %parallel_loop3A_257 : i32 to index
        %parallel_loop3A_329 = arith.constant 0 : index
        %parallel_loop3A_330 = tpu.vector_load %parallel_loop3A_327[%parallel_loop3A_328, %parallel_loop3A_329] {strides = array<i32>} : memref<80x128xf32, #tpu.memory_space<vmem>>, vector<1x16xf32>,
        %parallel_loop3A_331 = vector.shape_cast %parallel_loop3A_330 : vector<1x16xf32> to vector<16xf32>
        %parallel_loop3A_332 = arith.mulf %parallel_loop3A_323, %parallel_loop3A_331 : vector<16xf32>
        %parallel_loop3A_333 = arith.constant 0 : i32
        %parallel_loop3A_334 = arith.constant 0 : i32
        %parallel_loop3A_335 = tpu.memref_slice %arg10[%parallel_loop3A_131, %parallel_loop3A_333, %parallel_loop3A_334] : memref<4x80x128xf32, #tpu.memory_space<vmem>> -> memref<1x80x128xf32, #tpu.memory_space<vmem>>
        %parallel_loop3A_336 = tpu.memref_squeeze %parallel_loop3A_335 : memref<1x80x128xf32, #tpu.memory_space<vmem>> -> memref<80x128xf32, #tpu.memory_space<vmem>>
        %parallel_loop3A_337 = arith.index_cast %parallel_loop3A_257 : i32 to index
        %parallel_loop3A_338 = arith.constant 16 : index
        %parallel_loop3A_339 = tpu.vector_load %parallel_loop3A_336[%parallel_loop3A_337, %parallel_loop3A_338] {strides = array<i32>} : memref<80x128xf32, #tpu.memory_space<vmem>>, vector<1x16xf32>,
        %parallel_loop3A_340 = vector.shape_cast %parallel_loop3A_339 : vector<1x16xf32> to vector<16xf32>
        %parallel_loop3A_341 = arith.constant 0 : i32
        %parallel_loop3A_342 = arith.constant 0 : i32
        %parallel_loop3A_343 = tpu.memref_slice %arg11[%parallel_loop3A_132, %parallel_loop3A_341, %parallel_loop3A_342] : memref<4x80x128xf32, #tpu.memory_space<vmem>> -> memref<1x80x128xf32, #tpu.memory_space<vmem>>
        %parallel_loop3A_344 = tpu.memref_squeeze %parallel_loop3A_343 : memref<1x80x128xf32, #tpu.memory_space<vmem>> -> memref<80x128xf32, #tpu.memory_space<vmem>>
        %parallel_loop3A_345 = arith.index_cast %parallel_loop3A_257 : i32 to index
        %parallel_loop3A_346 = arith.constant 16 : index
        %parallel_loop3A_347 = tpu.vector_load %parallel_loop3A_344[%parallel_loop3A_345, %parallel_loop3A_346] {strides = array<i32>} : memref<80x128xf32, #tpu.memory_space<vmem>>, vector<1x16xf32>,
        %parallel_loop3A_348 = vector.shape_cast %parallel_loop3A_347 : vector<1x16xf32> to vector<16xf32>
        %parallel_loop3A_349 = arith.mulf %parallel_loop3A_340, %parallel_loop3A_348 : vector<16xf32>
        %parallel_loop3A_350 = arith.constant 0 : i32
        %parallel_loop3A_351 = arith.constant 0 : i32
        %parallel_loop3A_352 = tpu.memref_slice %arg10[%parallel_loop3A_131, %parallel_loop3A_350, %parallel_loop3A_351] : memref<4x80x128xf32, #tpu.memory_space<vmem>> -> memref<1x80x128xf32, #tpu.memory_space<vmem>>
        %parallel_loop3A_353 = tpu.memref_squeeze %parallel_loop3A_352 : memref<1x80x128xf32, #tpu.memory_space<vmem>> -> memref<80x128xf32, #tpu.memory_space<vmem>>
        %parallel_loop3A_354 = arith.index_cast %parallel_loop3A_257 : i32 to index
        %parallel_loop3A_355 = arith.constant 32 : index
        %parallel_loop3A_356 = tpu.vector_load %parallel_loop3A_353[%parallel_loop3A_354, %parallel_loop3A_355] {strides = array<i32>} : memref<80x128xf32, #tpu.memory_space<vmem>>, vector<1x16xf32>,
        %parallel_loop3A_357 = vector.shape_cast %parallel_loop3A_356 : vector<1x16xf32> to vector<16xf32>
        %parallel_loop3A_358 = arith.constant 0 : i32
        %parallel_loop3A_359 = arith.constant 0 : i32
        %parallel_loop3A_360 = tpu.memref_slice %arg11[%parallel_loop3A_132, %parallel_loop3A_358, %parallel_loop3A_359] : memref<4x80x128xf32, #tpu.memory_space<vmem>> -> memref<1x80x128xf32, #tpu.memory_space<vmem>>
        %parallel_loop3A_361 = tpu.memref_squeeze %parallel_loop3A_360 : memref<1x80x128xf32, #tpu.memory_space<vmem>> -> memref<80x128xf32, #tpu.memory_space<vmem>>
        %parallel_loop3A_362 = arith.index_cast %parallel_loop3A_257 : i32 to index
        %parallel_loop3A_363 = arith.constant 32 : index
        %parallel_loop3A_364 = tpu.vector_load %parallel_loop3A_361[%parallel_loop3A_362, %parallel_loop3A_363] {strides = array<i32>} : memref<80x128xf32, #tpu.memory_space<vmem>>, vector<1x16xf32>,
        %parallel_loop3A_365 = vector.shape_cast %parallel_loop3A_364 : vector<1x16xf32> to vector<16xf32>
        %parallel_loop3A_366 = arith.mulf %parallel_loop3A_357, %parallel_loop3A_365 : vector<16xf32>
        %parallel_loop3A_367 = arith.constant 0 : i32
        %parallel_loop3A_368 = arith.constant 0 : i32
        %parallel_loop3A_369 = tpu.memref_slice %arg10[%parallel_loop3A_131, %parallel_loop3A_367, %parallel_loop3A_368] : memref<4x80x128xf32, #tpu.memory_space<vmem>> -> memref<1x80x128xf32, #tpu.memory_space<vmem>>
        %parallel_loop3A_370 = tpu.memref_squeeze %parallel_loop3A_369 : memref<1x80x128xf32, #tpu.memory_space<vmem>> -> memref<80x128xf32, #tpu.memory_space<vmem>>
        %parallel_loop3A_371 = arith.index_cast %parallel_loop3A_257 : i32 to index
        %parallel_loop3A_372 = arith.constant 48 : index
        %parallel_loop3A_373 = tpu.vector_load %parallel_loop3A_370[%parallel_loop3A_371, %parallel_loop3A_372] {strides = array<i32>} : memref<80x128xf32, #tpu.memory_space<vmem>>, vector<1x16xf32>,
        %parallel_loop3A_374 = vector.shape_cast %parallel_loop3A_373 : vector<1x16xf32> to vector<16xf32>
        %parallel_loop3A_375 = arith.constant 0 : i32
        %parallel_loop3A_376 = arith.constant 0 : i32
        %parallel_loop3A_377 = tpu.memref_slice %arg11[%parallel_loop3A_132, %parallel_loop3A_375, %parallel_loop3A_376] : memref<4x80x128xf32, #tpu.memory_space<vmem>> -> memref<1x80x128xf32, #tpu.memory_space<vmem>>
        %parallel_loop3A_378 = tpu.memref_squeeze %parallel_loop3A_377 : memref<1x80x128xf32, #tpu.memory_space<vmem>> -> memref<80x128xf32, #tpu.memory_space<vmem>>
        %parallel_loop3A_379 = arith.index_cast %parallel_loop3A_257 : i32 to index
        %parallel_loop3A_380 = arith.constant 48 : index
        %parallel_loop3A_381 = tpu.vector_load %parallel_loop3A_378[%parallel_loop3A_379, %parallel_loop3A_380] {strides = array<i32>} : memref<80x128xf32, #tpu.memory_space<vmem>>, vector<1x16xf32>,
        %parallel_loop3A_382 = vector.shape_cast %parallel_loop3A_381 : vector<1x16xf32> to vector<16xf32>
        %parallel_loop3A_383 = arith.mulf %parallel_loop3A_374, %parallel_loop3A_382 : vector<16xf32>
        %parallel_loop3A_384 = arith.constant 0 : i32
        %parallel_loop3A_385 = arith.constant 0 : i32
        %parallel_loop3A_386 = tpu.memref_slice %arg10[%parallel_loop3A_131, %parallel_loop3A_384, %parallel_loop3A_385] : memref<4x80x128xf32, #tpu.memory_space<vmem>> -> memref<1x80x128xf32, #tpu.memory_space<vmem>>
        %parallel_loop3A_387 = tpu.memref_squeeze %parallel_loop3A_386 : memref<1x80x128xf32, #tpu.memory_space<vmem>> -> memref<80x128xf32, #tpu.memory_space<vmem>>
        %parallel_loop3A_388 = arith.index_cast %parallel_loop3A_257 : i32 to index
        %parallel_loop3A_389 = arith.constant 64 : index
        %parallel_loop3A_390 = tpu.vector_load %parallel_loop3A_387[%parallel_loop3A_388, %parallel_loop3A_389] {strides = array<i32>} : memref<80x128xf32, #tpu.memory_space<vmem>>, vector<1x16xf32>,
        %parallel_loop3A_391 = vector.shape_cast %parallel_loop3A_390 : vector<1x16xf32> to vector<16xf32>
        %parallel_loop3A_392 = arith.constant 0 : i32
        %parallel_loop3A_393 = arith.constant 0 : i32
        %parallel_loop3A_394 = tpu.memref_slice %arg11[%parallel_loop3A_132, %parallel_loop3A_392, %parallel_loop3A_393] : memref<4x80x128xf32, #tpu.memory_space<vmem>> -> memref<1x80x128xf32, #tpu.memory_space<vmem>>
        %parallel_loop3A_395 = tpu.memref_squeeze %parallel_loop3A_394 : memref<1x80x128xf32, #tpu.memory_space<vmem>> -> memref<80x128xf32, #tpu.memory_space<vmem>>
        %parallel_loop3A_396 = arith.index_cast %parallel_loop3A_257 : i32 to index
        %parallel_loop3A_397 = arith.constant 64 : index
        %parallel_loop3A_398 = tpu.vector_load %parallel_loop3A_395[%parallel_loop3A_396, %parallel_loop3A_397] {strides = array<i32>} : memref<80x128xf32, #tpu.memory_space<vmem>>, vector<1x16xf32>,
        %parallel_loop3A_399 = vector.shape_cast %parallel_loop3A_398 : vector<1x16xf32> to vector<16xf32>
        %parallel_loop3A_400 = arith.mulf %parallel_loop3A_391, %parallel_loop3A_399 : vector<16xf32>
        %parallel_loop3A_401 = arith.constant 0 : i32
        %parallel_loop3A_402 = arith.constant 0 : i32
        %parallel_loop3A_403 = tpu.memref_slice %arg10[%parallel_loop3A_131, %parallel_loop3A_401, %parallel_loop3A_402] : memref<4x80x128xf32, #tpu.memory_space<vmem>> -> memref<1x80x128xf32, #tpu.memory_space<vmem>>
        %parallel_loop3A_404 = tpu.memref_squeeze %parallel_loop3A_403 : memref<1x80x128xf32, #tpu.memory_space<vmem>> -> memref<80x128xf32, #tpu.memory_space<vmem>>
        %parallel_loop3A_405 = arith.index_cast %parallel_loop3A_257 : i32 to index
        %parallel_loop3A_406 = arith.constant 80 : index
        %parallel_loop3A_407 = tpu.vector_load %parallel_loop3A_404[%parallel_loop3A_405, %parallel_loop3A_406] {strides = array<i32>} : memref<80x128xf32, #tpu.memory_space<vmem>>, vector<1x16xf32>,
        %parallel_loop3A_408 = vector.shape_cast %parallel_loop3A_407 : vector<1x16xf32> to vector<16xf32>
        %parallel_loop3A_409 = arith.constant 0 : i32
        %parallel_loop3A_410 = arith.constant 0 : i32
        %parallel_loop3A_411 = tpu.memref_slice %arg11[%parallel_loop3A_132, %parallel_loop3A_409, %parallel_loop3A_410] : memref<4x80x128xf32, #tpu.memory_space<vmem>> -> memref<1x80x128xf32, #tpu.memory_space<vmem>>
        %parallel_loop3A_412 = tpu.memref_squeeze %parallel_loop3A_411 : memref<1x80x128xf32, #tpu.memory_space<vmem>> -> memref<80x128xf32, #tpu.memory_space<vmem>>
        %parallel_loop3A_413 = arith.index_cast %parallel_loop3A_257 : i32 to index
        %parallel_loop3A_414 = arith.constant 80 : index
        %parallel_loop3A_415 = tpu.vector_load %parallel_loop3A_412[%parallel_loop3A_413, %parallel_loop3A_414] {strides = array<i32>} : memref<80x128xf32, #tpu.memory_space<vmem>>, vector<1x16xf32>,
        %parallel_loop3A_416 = vector.shape_cast %parallel_loop3A_415 : vector<1x16xf32> to vector<16xf32>
        %parallel_loop3A_417 = arith.mulf %parallel_loop3A_408, %parallel_loop3A_416 : vector<16xf32>
        %parallel_loop3A_418 = arith.constant 0 : i32
        %parallel_loop3A_419 = arith.constant 0 : i32
        %parallel_loop3A_420 = tpu.memref_slice %arg10[%parallel_loop3A_131, %parallel_loop3A_418, %parallel_loop3A_419] : memref<4x80x128xf32, #tpu.memory_space<vmem>> -> memref<1x80x128xf32, #tpu.memory_space<vmem>>
        %parallel_loop3A_421 = tpu.memref_squeeze %parallel_loop3A_420 : memref<1x80x128xf32, #tpu.memory_space<vmem>> -> memref<80x128xf32, #tpu.memory_space<vmem>>
        %parallel_loop3A_422 = arith.index_cast %parallel_loop3A_257 : i32 to index
        %parallel_loop3A_423 = arith.constant 96 : index
        %parallel_loop3A_424 = tpu.vector_load %parallel_loop3A_421[%parallel_loop3A_422, %parallel_loop3A_423] {strides = array<i32>} : memref<80x128xf32, #tpu.memory_space<vmem>>, vector<1x16xf32>,
        %parallel_loop3A_425 = vector.shape_cast %parallel_loop3A_424 : vector<1x16xf32> to vector<16xf32>
        %parallel_loop3A_426 = arith.constant 0 : i32
        %parallel_loop3A_427 = arith.constant 0 : i32
        %parallel_loop3A_428 = tpu.memref_slice %arg11[%parallel_loop3A_132, %parallel_loop3A_426, %parallel_loop3A_427] : memref<4x80x128xf32, #tpu.memory_space<vmem>> -> memref<1x80x128xf32, #tpu.memory_space<vmem>>
        %parallel_loop3A_429 = tpu.memref_squeeze %parallel_loop3A_428 : memref<1x80x128xf32, #tpu.memory_space<vmem>> -> memref<80x128xf32, #tpu.memory_space<vmem>>
        %parallel_loop3A_430 = arith.index_cast %parallel_loop3A_257 : i32 to index
        %parallel_loop3A_431 = arith.constant 96 : index
        %parallel_loop3A_432 = tpu.vector_load %parallel_loop3A_429[%parallel_loop3A_430, %parallel_loop3A_431] {strides = array<i32>} : memref<80x128xf32, #tpu.memory_space<vmem>>, vector<1x16xf32>,
        %parallel_loop3A_433 = vector.shape_cast %parallel_loop3A_432 : vector<1x16xf32> to vector<16xf32>
        %parallel_loop3A_434 = arith.mulf %parallel_loop3A_425, %parallel_loop3A_433 : vector<16xf32>
        %parallel_loop3A_435 = arith.constant 0 : i32
        %parallel_loop3A_436 = arith.constant 0 : i32
        %parallel_loop3A_437 = tpu.memref_slice %arg10[%parallel_loop3A_131, %parallel_loop3A_435, %parallel_loop3A_436] : memref<4x80x128xf32, #tpu.memory_space<vmem>> -> memref<1x80x128xf32, #tpu.memory_space<vmem>>
        %parallel_loop3A_438 = tpu.memref_squeeze %parallel_loop3A_437 : memref<1x80x128xf32, #tpu.memory_space<vmem>> -> memref<80x128xf32, #tpu.memory_space<vmem>>
        %parallel_loop3A_439 = arith.index_cast %parallel_loop3A_257 : i32 to index
        %parallel_loop3A_440 = arith.constant 112 : index
        %parallel_loop3A_441 = tpu.vector_load %parallel_loop3A_438[%parallel_loop3A_439, %parallel_loop3A_440] {strides = array<i32>} : memref<80x128xf32, #tpu.memory_space<vmem>>, vector<1x16xf32>,
        %parallel_loop3A_442 = vector.shape_cast %parallel_loop3A_441 : vector<1x16xf32> to vector<16xf32>
        %parallel_loop3A_443 = arith.constant 0 : i32
        %parallel_loop3A_444 = arith.constant 0 : i32
        %parallel_loop3A_445 = tpu.memref_slice %arg11[%parallel_loop3A_132, %parallel_loop3A_443, %parallel_loop3A_444] : memref<4x80x128xf32, #tpu.memory_space<vmem>> -> memref<1x80x128xf32, #tpu.memory_space<vmem>>
        %parallel_loop3A_446 = tpu.memref_squeeze %parallel_loop3A_445 : memref<1x80x128xf32, #tpu.memory_space<vmem>> -> memref<80x128xf32, #tpu.memory_space<vmem>>
        %parallel_loop3A_447 = arith.index_cast %parallel_loop3A_257 : i32 to index
        %parallel_loop3A_448 = arith.constant 112 : index
        %parallel_loop3A_449 = tpu.vector_load %parallel_loop3A_446[%parallel_loop3A_447, %parallel_loop3A_448] {strides = array<i32>} : memref<80x128xf32, #tpu.memory_space<vmem>>, vector<1x16xf32>,
        %parallel_loop3A_450 = vector.shape_cast %parallel_loop3A_449 : vector<1x16xf32> to vector<16xf32>
        %parallel_loop3A_451 = arith.mulf %parallel_loop3A_442, %parallel_loop3A_450 : vector<16xf32>
        %parallel_loop3A_452 = arith.addf %parallel_loop3A_332, %parallel_loop3A_349 : vector<16xf32>
        %parallel_loop3A_453 = arith.addf %parallel_loop3A_366, %parallel_loop3A_383 : vector<16xf32>
        %parallel_loop3A_454 = arith.addf %parallel_loop3A_400, %parallel_loop3A_417 : vector<16xf32>
        %parallel_loop3A_455 = arith.addf %parallel_loop3A_434, %parallel_loop3A_451 : vector<16xf32>
        %parallel_loop3A_456 = arith.addf %parallel_loop3A_452, %parallel_loop3A_453 : vector<16xf32>
        %parallel_loop3A_457 = arith.addf %parallel_loop3A_454, %parallel_loop3A_455 : vector<16xf32>
        %parallel_loop3A_458 = arith.addf %parallel_loop3A_456, %parallel_loop3A_457 : vector<16xf32>
        %parallel_loop3A_459 = arith.mulf %parallel_loop3A_458, %parallel_loop3A_315 : vector<16xf32>
        %parallel_loop3A_460 = arith.addf %parallel_loop3A_258, %parallel_loop3A_459 : vector<16xf32>
        scf.yield %parallel_loop3A_460 : vector<16xf32>
      } {sc.loop_unroll_factor = 4 : i64, sc.parallel_access}
      %mul3A_134 = arith.constant 4 : i32
      %mul3A_135 = arith.muli %scan3A_95, %mul3A_134 : i32
      %add3A_136 = arith.constant 1 : i32
      %add3A_137 = arith.addi %mul3A_135, %add3A_136 : i32
      %add3A_138 = arith.constant 4 : i32
      %add3A_139 = arith.addi %add3A_137, %add3A_138 : i32
      %sub3A_140 = arith.constant 1 : i32
      %sub3A_141 = arith.subi %add3A_139, %sub3A_140 : i32
      %lt3A_142 = arith.constant 125 : i32
      %lt3A_143 = arith.cmpi slt, %sub3A_141, %lt3A_142 : i32
      %convert_element_type3A_144 = arith.extui %lt3A_143 : i1 to i32
      %cond3A_145 = arith.constant 0 : i32
      %cond3A_146 = arith.cmpi ne, %convert_element_type3A_144, %cond3A_145 : i32
      scf.if %cond3A_146 {
        %add3A_257 = arith.constant 4 : i32
        %add3A_258 = arith.addi %add3A_137, %add3A_257 : i32
        %sub3A_259 = arith.constant 1 : i32
        %sub3A_260 = arith.subi %add3A_258, %sub3A_259 : i32
        %mul3A_261 = arith.constant 80 : i32
        %mul3A_262 = arith.muli %sub3A_260, %mul3A_261 : i32
        %mul3A_263 = arith.constant 80 : i32
        %mul3A_264 = arith.muli %sub3A_260, %mul3A_263 : i32
        %dma_start3A_265 = arith.constant 0 : i32
        %dma_start3A_266 = arith.constant 0 : i32
        %dma_start3A_267 = arith.constant 0 : i32
        %dma_start3A_268 = tpu.memref_slice %arg10[%dma_start3A_265, %dma_start3A_266, %dma_start3A_267] : memref<4x80x128xf32, #tpu.memory_space<vmem>> -> memref<1x80x128xf32, #tpu.memory_space<vmem>>
        %dma_start3A_269 = tpu.memref_squeeze %dma_start3A_268 : memref<1x80x128xf32, #tpu.memory_space<vmem>> -> memref<80x128xf32, #tpu.memory_space<vmem>>
        %dma_start3A_270 = tpu.memref_slice %arg7[%mul3A_262] : memref<10000xi32, #tpu.memory_space<vmem>> -> memref<80xi32, #tpu.memory_space<vmem>>
        %dma_start3A_271 = arith.constant 0 : i32
        %dma_start3A_272 = arith.constant 0 : i32
        %dma_start3A_273 = tpu.memref_slice %arg2[%dma_start3A_271, %dma_start3A_272] : memref<10000x128xf32, #tpu.memory_space<hbm>> -> memref<10000x128xf32, #tpu.memory_space<hbm>>
        tpu.enqueue_indirect_dma source(%dma_start3A_273 : memref<10000x128xf32, #tpu.memory_space<hbm>>) target(%dma_start3A_269 : memref<80x128xf32, #tpu.memory_space<vmem>>) offsets(%dma_start3A_270 : memref<80xi32, #tpu.memory_space<vmem>>) semaphore(%arg13 : memref<!tpu.dma_semaphore, #tpu.memory_space<semaphore_mem>>)
        %dma_start3A_274 = arith.constant 0 : i32
        %dma_start3A_275 = arith.constant 0 : i32
        %dma_start3A_276 = arith.constant 0 : i32
        %dma_start3A_277 = tpu.memref_slice %arg11[%dma_start3A_274, %dma_start3A_275, %dma_start3A_276] : memref<4x80x128xf32, #tpu.memory_space<vmem>> -> memref<1x80x128xf32, #tpu.memory_space<vmem>>
        %dma_start3A_278 = tpu.memref_squeeze %dma_start3A_277 : memref<1x80x128xf32, #tpu.memory_space<vmem>> -> memref<80x128xf32, #tpu.memory_space<vmem>>
        %dma_start3A_279 = tpu.memref_slice %arg8[%mul3A_264] : memref<10000xi32, #tpu.memory_space<vmem>> -> memref<80xi32, #tpu.memory_space<vmem>>
        %dma_start3A_280 = arith.constant 0 : i32
        %dma_start3A_281 = arith.constant 0 : i32
        %dma_start3A_282 = tpu.memref_slice %arg2[%dma_start3A_280, %dma_start3A_281] : memref<10000x128xf32, #tpu.memory_space<hbm>> -> memref<10000x128xf32, #tpu.memory_space<hbm>>
        tpu.enqueue_indirect_dma source(%dma_start3A_282 : memref<10000x128xf32, #tpu.memory_space<hbm>>) target(%dma_start3A_278 : memref<80x128xf32, #tpu.memory_space<vmem>>) offsets(%dma_start3A_279 : memref<80xi32, #tpu.memory_space<vmem>>) semaphore(%arg13 : memref<!tpu.dma_semaphore, #tpu.memory_space<semaphore_mem>>)
      } else {
      }
      %dma_wait3A_147 = arith.constant 1 : i32
      %dma_wait3A_148 = arith.constant 0 : i32
      %dma_wait3A_149 = arith.constant 0 : i32
      %dma_wait3A_150 = tpu.memref_slice %arg10[%dma_wait3A_147, %dma_wait3A_148, %dma_wait3A_149] : memref<4x80x128xf32, #tpu.memory_space<vmem>> -> memref<1x80x128xf32, #tpu.memory_space<vmem>>
      %dma_wait3A_151 = tpu.memref_squeeze %dma_wait3A_150 : memref<1x80x128xf32, #tpu.memory_space<vmem>> -> memref<80x128xf32, #tpu.memory_space<vmem>>
      %dma_wait3A_152 = arith.constant 0 : i32
      %dma_wait3A_153 = tpu.memref_slice %arg7[%dma_wait3A_152] : memref<10000xi32, #tpu.memory_space<vmem>> -> memref<80xi32, #tpu.memory_space<vmem>>
      %dma_wait3A_154 = arith.constant 0 : i32
      %dma_wait3A_155 = arith.constant 0 : i32
      %dma_wait3A_156 = tpu.memref_slice %arg2[%dma_wait3A_154, %dma_wait3A_155] : memref<10000x128xf32, #tpu.memory_space<hbm>> -> memref<10000x128xf32, #tpu.memory_space<hbm>>
      tpu.wait_indirect_dma semaphore(%arg14 : memref<!tpu.dma_semaphore, #tpu.memory_space<semaphore_mem>>) src(%dma_wait3A_156 : memref<10000x128xf32, #tpu.memory_space<hbm>>) dst(%dma_wait3A_151 : memref<80x128xf32, #tpu.memory_space<vmem>>)
      %dma_wait3A_157 = arith.constant 1 : i32
      %dma_wait3A_158 = arith.constant 0 : i32
      %dma_wait3A_159 = arith.constant 0 : i32
      %dma_wait3A_160 = tpu.memref_slice %arg11[%dma_wait3A_157, %dma_wait3A_158, %dma_wait3A_159] : memref<4x80x128xf32, #tpu.memory_space<vmem>> -> memref<1x80x128xf32, #tpu.memory_space<vmem>>
      %dma_wait3A_161 = tpu.memref_squeeze %dma_wait3A_160 : memref<1x80x128xf32, #tpu.memory_space<vmem>> -> memref<80x128xf32, #tpu.memory_space<vmem>>
      %dma_wait3A_162 = arith.constant 0 : i32
      %dma_wait3A_163 = tpu.memref_slice %arg8[%dma_wait3A_162] : memref<10000xi32, #tpu.memory_space<vmem>> -> memref<80xi32, #tpu.memory_space<vmem>>
      %dma_wait3A_164 = arith.constant 0 : i32
      %dma_wait3A_165 = arith.constant 0 : i32
      %dma_wait3A_166 = tpu.memref_slice %arg2[%dma_wait3A_164, %dma_wait3A_165] : memref<10000x128xf32, #tpu.memory_space<hbm>> -> memref<10000x128xf32, #tpu.memory_space<hbm>>
      tpu.wait_indirect_dma semaphore(%arg14 : memref<!tpu.dma_semaphore, #tpu.memory_space<semaphore_mem>>) src(%dma_wait3A_166 : memref<10000x128xf32, #tpu.memory_space<hbm>>) dst(%dma_wait3A_161 : memref<80x128xf32, #tpu.memory_space<vmem>>)
      %mul3A_167 = arith.constant 80 : i32
      %mul3A_168 = arith.muli %add3A_137, %mul3A_167 : i32
      %parallel_loop3A_169 = arith.constant 0 : i32
      %parallel_loop3A_170 = arith.constant 80 : i32
      %parallel_loop3A_171 = arith.constant 1 : i32
      %parallel_loop3A_172 = arith.constant 1 : i32
      %parallel_loop3A_173 = arith.constant 1 : i32
      %parallel_loop3A_174 = scf.for %parallel_loop3A_257 = %parallel_loop3A_169 to %parallel_loop3A_170 step %parallel_loop3A_171 iter_args(%parallel_loop3A_258 = %parallel_loop3A_133) -> (vector<16xf32>)  : i32 {
        %parallel_loop3A_259 = arith.constant 16 : i32
        %parallel_loop3A_260 = arith.divsi %parallel_loop3A_257, %parallel_loop3A_259 : i32
        %parallel_loop3A_261 = arith.constant 0 : i32
        %parallel_loop3A_262 = arith.cmpi sgt, %parallel_loop3A_257, %parallel_loop3A_261 : i32
        %parallel_loop3A_263 = arith.extui %parallel_loop3A_262 : i1 to i32
        %parallel_loop3A_264 = arith.constant 0 : i32
        %parallel_loop3A_265 = arith.cmpi slt, %parallel_loop3A_257, %parallel_loop3A_264 : i32
        %parallel_loop3A_266 = arith.extui %parallel_loop3A_265 : i1 to i32
        %parallel_loop3A_267 = arith.subi %parallel_loop3A_263, %parallel_loop3A_266 : i32
        %parallel_loop3A_268 = arith.constant 0 : i32
        %parallel_loop3A_269 = arith.cmpi sgt, %parallel_loop3A_259, %parallel_loop3A_268 : i32
        %parallel_loop3A_270 = arith.extui %parallel_loop3A_269 : i1 to i32
        %parallel_loop3A_271 = arith.constant 0 : i32
        %parallel_loop3A_272 = arith.cmpi slt, %parallel_loop3A_259, %parallel_loop3A_271 : i32
        %parallel_loop3A_273 = arith.extui %parallel_loop3A_272 : i1 to i32
        %parallel_loop3A_274 = arith.subi %parallel_loop3A_270, %parallel_loop3A_273 : i32
        %parallel_loop3A_275 = arith.cmpi ne, %parallel_loop3A_267, %parallel_loop3A_274 : i32
        %parallel_loop3A_276 = arith.remsi %parallel_loop3A_257, %parallel_loop3A_259 : i32
        %parallel_loop3A_277 = arith.constant 0 : i32
        %parallel_loop3A_278 = arith.cmpi ne, %parallel_loop3A_276, %parallel_loop3A_277 : i32
        %parallel_loop3A_279 = arith.andi %parallel_loop3A_275, %parallel_loop3A_278 : i1
        %parallel_loop3A_280 = arith.constant 1 : i32
        %parallel_loop3A_281 = arith.subi %parallel_loop3A_260, %parallel_loop3A_280 : i32
        %parallel_loop3A_282 = arith.select %parallel_loop3A_279, %parallel_loop3A_281, %parallel_loop3A_260 : i32
        %parallel_loop3A_283 = arith.constant 16 : i32
        %parallel_loop3A_284 = arith.muli %parallel_loop3A_282, %parallel_loop3A_283 : i32
        %parallel_loop3A_285 = arith.addi %mul3A_168, %parallel_loop3A_284 : i32
        %parallel_loop3A_286 = arith.index_cast %parallel_loop3A_285 : i32 to index
        %parallel_loop3A_287 = tpu.vector_load %arg9[%parallel_loop3A_286] {strides = array<i32>} : memref<10000xf32, #tpu.memory_space<vmem>>, vector<16xf32>,
        %parallel_loop3A_288 = vector.shape_cast %parallel_loop3A_287 : vector<16xf32> to vector<16xf32>
        %parallel_loop3A_289 = arith.constant 16 : i32
        %parallel_loop3A_290 = arith.constant 0 : i32
        %parallel_loop3A_291 = arith.cmpi eq, %parallel_loop3A_289, %parallel_loop3A_290 : i32
        %parallel_loop3A_292 = arith.constant 1 : i32
        %parallel_loop3A_293 = arith.select %parallel_loop3A_291, %parallel_loop3A_292, %parallel_loop3A_289 : i32
        %parallel_loop3A_294 = arith.remsi %parallel_loop3A_257, %parallel_loop3A_293 : i32
        %parallel_loop3A_295 = arith.constant 0 : i32
        %parallel_loop3A_296 = arith.cmpi ne, %parallel_loop3A_294, %parallel_loop3A_295 : i32
        %parallel_loop3A_297 = arith.constant 0 : i32
        %parallel_loop3A_298 = arith.cmpi slt, %parallel_loop3A_294, %parallel_loop3A_297 : i32
        %parallel_loop3A_299 = arith.constant 0 : i32
        %parallel_loop3A_300 = arith.cmpi slt, %parallel_loop3A_293, %parallel_loop3A_299 : i32
        %parallel_loop3A_301 = arith.xori %parallel_loop3A_298, %parallel_loop3A_300 : i1
        %parallel_loop3A_302 = arith.andi %parallel_loop3A_301, %parallel_loop3A_296 : i1
        %parallel_loop3A_303 = arith.addi %parallel_loop3A_294, %parallel_loop3A_293 : i32
        %parallel_loop3A_304 = arith.select %parallel_loop3A_302, %parallel_loop3A_303, %parallel_loop3A_294 : i32
        %parallel_loop3A_305 = vector.broadcast %parallel_loop3A_304 : i32 to vector<16xi32>
        %parallel_loop3A_306 = arith.constant 0 : i32
        %parallel_loop3A_307 = vector.broadcast %parallel_loop3A_306 : i32 to vector<16xi32>
        %parallel_loop3A_308 = arith.cmpi slt, %parallel_loop3A_305, %parallel_loop3A_307 : vector<16xi32>
        %parallel_loop3A_309 = arith.constant 16 : i32
        %parallel_loop3A_310 = vector.broadcast %parallel_loop3A_309 : i32 to vector<16xi32>
        %parallel_loop3A_311 = arith.addi %parallel_loop3A_305, %parallel_loop3A_310 : vector<16xi32>
        %parallel_loop3A_312 = arith.select %parallel_loop3A_308, %parallel_loop3A_311, %parallel_loop3A_305 : vector<16xi1>, vector<16xi32>
        %parallel_loop3A_313 = vector.shape_cast %parallel_loop3A_312 : vector<16xi32> to vector<16x1xi32>
        %parallel_loop3A_314 = vector.shape_cast %parallel_loop3A_313 : vector<16x1xi32> to vector<16xi32>
        %parallel_loop3A_315 = tpu.dynamic_gather %parallel_loop3A_288[%parallel_loop3A_314] in [0] : vector<16xf32>, vector<16xi32> -> vector<16xf32>
        %parallel_loop3A_316 = arith.constant 0 : i32
        %parallel_loop3A_317 = arith.constant 0 : i32
        %parallel_loop3A_318 = tpu.memref_slice %arg10[%parallel_loop3A_172, %parallel_loop3A_316, %parallel_loop3A_317] : memref<4x80x128xf32, #tpu.memory_space<vmem>> -> memref<1x80x128xf32, #tpu.memory_space<vmem>>
        %parallel_loop3A_319 = tpu.memref_squeeze %parallel_loop3A_318 : memref<1x80x128xf32, #tpu.memory_space<vmem>> -> memref<80x128xf32, #tpu.memory_space<vmem>>
        %parallel_loop3A_320 = arith.index_cast %parallel_loop3A_257 : i32 to index
        %parallel_loop3A_321 = arith.constant 0 : index
        %parallel_loop3A_322 = tpu.vector_load %parallel_loop3A_319[%parallel_loop3A_320, %parallel_loop3A_321] {strides = array<i32>} : memref<80x128xf32, #tpu.memory_space<vmem>>, vector<1x16xf32>,
        %parallel_loop3A_323 = vector.shape_cast %parallel_loop3A_322 : vector<1x16xf32> to vector<16xf32>
        %parallel_loop3A_324 = arith.constant 0 : i32
        %parallel_loop3A_325 = arith.constant 0 : i32
        %parallel_loop3A_326 = tpu.memref_slice %arg11[%parallel_loop3A_173, %parallel_loop3A_324, %parallel_loop3A_325] : memref<4x80x128xf32, #tpu.memory_space<vmem>> -> memref<1x80x128xf32, #tpu.memory_space<vmem>>
        %parallel_loop3A_327 = tpu.memref_squeeze %parallel_loop3A_326 : memref<1x80x128xf32, #tpu.memory_space<vmem>> -> memref<80x128xf32, #tpu.memory_space<vmem>>
        %parallel_loop3A_328 = arith.index_cast %parallel_loop3A_257 : i32 to index
        %parallel_loop3A_329 = arith.constant 0 : index
        %parallel_loop3A_330 = tpu.vector_load %parallel_loop3A_327[%parallel_loop3A_328, %parallel_loop3A_329] {strides = array<i32>} : memref<80x128xf32, #tpu.memory_space<vmem>>, vector<1x16xf32>,
        %parallel_loop3A_331 = vector.shape_cast %parallel_loop3A_330 : vector<1x16xf32> to vector<16xf32>
        %parallel_loop3A_332 = arith.mulf %parallel_loop3A_323, %parallel_loop3A_331 : vector<16xf32>
        %parallel_loop3A_333 = arith.constant 0 : i32
        %parallel_loop3A_334 = arith.constant 0 : i32
        %parallel_loop3A_335 = tpu.memref_slice %arg10[%parallel_loop3A_172, %parallel_loop3A_333, %parallel_loop3A_334] : memref<4x80x128xf32, #tpu.memory_space<vmem>> -> memref<1x80x128xf32, #tpu.memory_space<vmem>>
        %parallel_loop3A_336 = tpu.memref_squeeze %parallel_loop3A_335 : memref<1x80x128xf32, #tpu.memory_space<vmem>> -> memref<80x128xf32, #tpu.memory_space<vmem>>
        %parallel_loop3A_337 = arith.index_cast %parallel_loop3A_257 : i32 to index
        %parallel_loop3A_338 = arith.constant 16 : index
        %parallel_loop3A_339 = tpu.vector_load %parallel_loop3A_336[%parallel_loop3A_337, %parallel_loop3A_338] {strides = array<i32>} : memref<80x128xf32, #tpu.memory_space<vmem>>, vector<1x16xf32>,
        %parallel_loop3A_340 = vector.shape_cast %parallel_loop3A_339 : vector<1x16xf32> to vector<16xf32>
        %parallel_loop3A_341 = arith.constant 0 : i32
        %parallel_loop3A_342 = arith.constant 0 : i32
        %parallel_loop3A_343 = tpu.memref_slice %arg11[%parallel_loop3A_173, %parallel_loop3A_341, %parallel_loop3A_342] : memref<4x80x128xf32, #tpu.memory_space<vmem>> -> memref<1x80x128xf32, #tpu.memory_space<vmem>>
        %parallel_loop3A_344 = tpu.memref_squeeze %parallel_loop3A_343 : memref<1x80x128xf32, #tpu.memory_space<vmem>> -> memref<80x128xf32, #tpu.memory_space<vmem>>
        %parallel_loop3A_345 = arith.index_cast %parallel_loop3A_257 : i32 to index
        %parallel_loop3A_346 = arith.constant 16 : index
        %parallel_loop3A_347 = tpu.vector_load %parallel_loop3A_344[%parallel_loop3A_345, %parallel_loop3A_346] {strides = array<i32>} : memref<80x128xf32, #tpu.memory_space<vmem>>, vector<1x16xf32>,
        %parallel_loop3A_348 = vector.shape_cast %parallel_loop3A_347 : vector<1x16xf32> to vector<16xf32>
        %parallel_loop3A_349 = arith.mulf %parallel_loop3A_340, %parallel_loop3A_348 : vector<16xf32>
        %parallel_loop3A_350 = arith.constant 0 : i32
        %parallel_loop3A_351 = arith.constant 0 : i32
        %parallel_loop3A_352 = tpu.memref_slice %arg10[%parallel_loop3A_172, %parallel_loop3A_350, %parallel_loop3A_351] : memref<4x80x128xf32, #tpu.memory_space<vmem>> -> memref<1x80x128xf32, #tpu.memory_space<vmem>>
        %parallel_loop3A_353 = tpu.memref_squeeze %parallel_loop3A_352 : memref<1x80x128xf32, #tpu.memory_space<vmem>> -> memref<80x128xf32, #tpu.memory_space<vmem>>
        %parallel_loop3A_354 = arith.index_cast %parallel_loop3A_257 : i32 to index
        %parallel_loop3A_355 = arith.constant 32 : index
        %parallel_loop3A_356 = tpu.vector_load %parallel_loop3A_353[%parallel_loop3A_354, %parallel_loop3A_355] {strides = array<i32>} : memref<80x128xf32, #tpu.memory_space<vmem>>, vector<1x16xf32>,
        %parallel_loop3A_357 = vector.shape_cast %parallel_loop3A_356 : vector<1x16xf32> to vector<16xf32>
        %parallel_loop3A_358 = arith.constant 0 : i32
        %parallel_loop3A_359 = arith.constant 0 : i32
        %parallel_loop3A_360 = tpu.memref_slice %arg11[%parallel_loop3A_173, %parallel_loop3A_358, %parallel_loop3A_359] : memref<4x80x128xf32, #tpu.memory_space<vmem>> -> memref<1x80x128xf32, #tpu.memory_space<vmem>>
        %parallel_loop3A_361 = tpu.memref_squeeze %parallel_loop3A_360 : memref<1x80x128xf32, #tpu.memory_space<vmem>> -> memref<80x128xf32, #tpu.memory_space<vmem>>
        %parallel_loop3A_362 = arith.index_cast %parallel_loop3A_257 : i32 to index
        %parallel_loop3A_363 = arith.constant 32 : index
        %parallel_loop3A_364 = tpu.vector_load %parallel_loop3A_361[%parallel_loop3A_362, %parallel_loop3A_363] {strides = array<i32>} : memref<80x128xf32, #tpu.memory_space<vmem>>, vector<1x16xf32>,
        %parallel_loop3A_365 = vector.shape_cast %parallel_loop3A_364 : vector<1x16xf32> to vector<16xf32>
        %parallel_loop3A_366 = arith.mulf %parallel_loop3A_357, %parallel_loop3A_365 : vector<16xf32>
        %parallel_loop3A_367 = arith.constant 0 : i32
        %parallel_loop3A_368 = arith.constant 0 : i32
        %parallel_loop3A_369 = tpu.memref_slice %arg10[%parallel_loop3A_172, %parallel_loop3A_367, %parallel_loop3A_368] : memref<4x80x128xf32, #tpu.memory_space<vmem>> -> memref<1x80x128xf32, #tpu.memory_space<vmem>>
        %parallel_loop3A_370 = tpu.memref_squeeze %parallel_loop3A_369 : memref<1x80x128xf32, #tpu.memory_space<vmem>> -> memref<80x128xf32, #tpu.memory_space<vmem>>
        %parallel_loop3A_371 = arith.index_cast %parallel_loop3A_257 : i32 to index
        %parallel_loop3A_372 = arith.constant 48 : index
        %parallel_loop3A_373 = tpu.vector_load %parallel_loop3A_370[%parallel_loop3A_371, %parallel_loop3A_372] {strides = array<i32>} : memref<80x128xf32, #tpu.memory_space<vmem>>, vector<1x16xf32>,
        %parallel_loop3A_374 = vector.shape_cast %parallel_loop3A_373 : vector<1x16xf32> to vector<16xf32>
        %parallel_loop3A_375 = arith.constant 0 : i32
        %parallel_loop3A_376 = arith.constant 0 : i32
        %parallel_loop3A_377 = tpu.memref_slice %arg11[%parallel_loop3A_173, %parallel_loop3A_375, %parallel_loop3A_376] : memref<4x80x128xf32, #tpu.memory_space<vmem>> -> memref<1x80x128xf32, #tpu.memory_space<vmem>>
        %parallel_loop3A_378 = tpu.memref_squeeze %parallel_loop3A_377 : memref<1x80x128xf32, #tpu.memory_space<vmem>> -> memref<80x128xf32, #tpu.memory_space<vmem>>
        %parallel_loop3A_379 = arith.index_cast %parallel_loop3A_257 : i32 to index
        %parallel_loop3A_380 = arith.constant 48 : index
        %parallel_loop3A_381 = tpu.vector_load %parallel_loop3A_378[%parallel_loop3A_379, %parallel_loop3A_380] {strides = array<i32>} : memref<80x128xf32, #tpu.memory_space<vmem>>, vector<1x16xf32>,
        %parallel_loop3A_382 = vector.shape_cast %parallel_loop3A_381 : vector<1x16xf32> to vector<16xf32>
        %parallel_loop3A_383 = arith.mulf %parallel_loop3A_374, %parallel_loop3A_382 : vector<16xf32>
        %parallel_loop3A_384 = arith.constant 0 : i32
        %parallel_loop3A_385 = arith.constant 0 : i32
        %parallel_loop3A_386 = tpu.memref_slice %arg10[%parallel_loop3A_172, %parallel_loop3A_384, %parallel_loop3A_385] : memref<4x80x128xf32, #tpu.memory_space<vmem>> -> memref<1x80x128xf32, #tpu.memory_space<vmem>>
        %parallel_loop3A_387 = tpu.memref_squeeze %parallel_loop3A_386 : memref<1x80x128xf32, #tpu.memory_space<vmem>> -> memref<80x128xf32, #tpu.memory_space<vmem>>
        %parallel_loop3A_388 = arith.index_cast %parallel_loop3A_257 : i32 to index
        %parallel_loop3A_389 = arith.constant 64 : index
        %parallel_loop3A_390 = tpu.vector_load %parallel_loop3A_387[%parallel_loop3A_388, %parallel_loop3A_389] {strides = array<i32>} : memref<80x128xf32, #tpu.memory_space<vmem>>, vector<1x16xf32>,
        %parallel_loop3A_391 = vector.shape_cast %parallel_loop3A_390 : vector<1x16xf32> to vector<16xf32>
        %parallel_loop3A_392 = arith.constant 0 : i32
        %parallel_loop3A_393 = arith.constant 0 : i32
        %parallel_loop3A_394 = tpu.memref_slice %arg11[%parallel_loop3A_173, %parallel_loop3A_392, %parallel_loop3A_393] : memref<4x80x128xf32, #tpu.memory_space<vmem>> -> memref<1x80x128xf32, #tpu.memory_space<vmem>>
        %parallel_loop3A_395 = tpu.memref_squeeze %parallel_loop3A_394 : memref<1x80x128xf32, #tpu.memory_space<vmem>> -> memref<80x128xf32, #tpu.memory_space<vmem>>
        %parallel_loop3A_396 = arith.index_cast %parallel_loop3A_257 : i32 to index
        %parallel_loop3A_397 = arith.constant 64 : index
        %parallel_loop3A_398 = tpu.vector_load %parallel_loop3A_395[%parallel_loop3A_396, %parallel_loop3A_397] {strides = array<i32>} : memref<80x128xf32, #tpu.memory_space<vmem>>, vector<1x16xf32>,
        %parallel_loop3A_399 = vector.shape_cast %parallel_loop3A_398 : vector<1x16xf32> to vector<16xf32>
        %parallel_loop3A_400 = arith.mulf %parallel_loop3A_391, %parallel_loop3A_399 : vector<16xf32>
        %parallel_loop3A_401 = arith.constant 0 : i32
        %parallel_loop3A_402 = arith.constant 0 : i32
        %parallel_loop3A_403 = tpu.memref_slice %arg10[%parallel_loop3A_172, %parallel_loop3A_401, %parallel_loop3A_402] : memref<4x80x128xf32, #tpu.memory_space<vmem>> -> memref<1x80x128xf32, #tpu.memory_space<vmem>>
        %parallel_loop3A_404 = tpu.memref_squeeze %parallel_loop3A_403 : memref<1x80x128xf32, #tpu.memory_space<vmem>> -> memref<80x128xf32, #tpu.memory_space<vmem>>
        %parallel_loop3A_405 = arith.index_cast %parallel_loop3A_257 : i32 to index
        %parallel_loop3A_406 = arith.constant 80 : index
        %parallel_loop3A_407 = tpu.vector_load %parallel_loop3A_404[%parallel_loop3A_405, %parallel_loop3A_406] {strides = array<i32>} : memref<80x128xf32, #tpu.memory_space<vmem>>, vector<1x16xf32>,
        %parallel_loop3A_408 = vector.shape_cast %parallel_loop3A_407 : vector<1x16xf32> to vector<16xf32>
        %parallel_loop3A_409 = arith.constant 0 : i32
        %parallel_loop3A_410 = arith.constant 0 : i32
        %parallel_loop3A_411 = tpu.memref_slice %arg11[%parallel_loop3A_173, %parallel_loop3A_409, %parallel_loop3A_410] : memref<4x80x128xf32, #tpu.memory_space<vmem>> -> memref<1x80x128xf32, #tpu.memory_space<vmem>>
        %parallel_loop3A_412 = tpu.memref_squeeze %parallel_loop3A_411 : memref<1x80x128xf32, #tpu.memory_space<vmem>> -> memref<80x128xf32, #tpu.memory_space<vmem>>
        %parallel_loop3A_413 = arith.index_cast %parallel_loop3A_257 : i32 to index
        %parallel_loop3A_414 = arith.constant 80 : index
        %parallel_loop3A_415 = tpu.vector_load %parallel_loop3A_412[%parallel_loop3A_413, %parallel_loop3A_414] {strides = array<i32>} : memref<80x128xf32, #tpu.memory_space<vmem>>, vector<1x16xf32>,
        %parallel_loop3A_416 = vector.shape_cast %parallel_loop3A_415 : vector<1x16xf32> to vector<16xf32>
        %parallel_loop3A_417 = arith.mulf %parallel_loop3A_408, %parallel_loop3A_416 : vector<16xf32>
        %parallel_loop3A_418 = arith.constant 0 : i32
        %parallel_loop3A_419 = arith.constant 0 : i32
        %parallel_loop3A_420 = tpu.memref_slice %arg10[%parallel_loop3A_172, %parallel_loop3A_418, %parallel_loop3A_419] : memref<4x80x128xf32, #tpu.memory_space<vmem>> -> memref<1x80x128xf32, #tpu.memory_space<vmem>>
        %parallel_loop3A_421 = tpu.memref_squeeze %parallel_loop3A_420 : memref<1x80x128xf32, #tpu.memory_space<vmem>> -> memref<80x128xf32, #tpu.memory_space<vmem>>
        %parallel_loop3A_422 = arith.index_cast %parallel_loop3A_257 : i32 to index
        %parallel_loop3A_423 = arith.constant 96 : index
        %parallel_loop3A_424 = tpu.vector_load %parallel_loop3A_421[%parallel_loop3A_422, %parallel_loop3A_423] {strides = array<i32>} : memref<80x128xf32, #tpu.memory_space<vmem>>, vector<1x16xf32>,
        %parallel_loop3A_425 = vector.shape_cast %parallel_loop3A_424 : vector<1x16xf32> to vector<16xf32>
        %parallel_loop3A_426 = arith.constant 0 : i32
        %parallel_loop3A_427 = arith.constant 0 : i32
        %parallel_loop3A_428 = tpu.memref_slice %arg11[%parallel_loop3A_173, %parallel_loop3A_426, %parallel_loop3A_427] : memref<4x80x128xf32, #tpu.memory_space<vmem>> -> memref<1x80x128xf32, #tpu.memory_space<vmem>>
        %parallel_loop3A_429 = tpu.memref_squeeze %parallel_loop3A_428 : memref<1x80x128xf32, #tpu.memory_space<vmem>> -> memref<80x128xf32, #tpu.memory_space<vmem>>
        %parallel_loop3A_430 = arith.index_cast %parallel_loop3A_257 : i32 to index
        %parallel_loop3A_431 = arith.constant 96 : index
        %parallel_loop3A_432 = tpu.vector_load %parallel_loop3A_429[%parallel_loop3A_430, %parallel_loop3A_431] {strides = array<i32>} : memref<80x128xf32, #tpu.memory_space<vmem>>, vector<1x16xf32>,
        %parallel_loop3A_433 = vector.shape_cast %parallel_loop3A_432 : vector<1x16xf32> to vector<16xf32>
        %parallel_loop3A_434 = arith.mulf %parallel_loop3A_425, %parallel_loop3A_433 : vector<16xf32>
        %parallel_loop3A_435 = arith.constant 0 : i32
        %parallel_loop3A_436 = arith.constant 0 : i32
        %parallel_loop3A_437 = tpu.memref_slice %arg10[%parallel_loop3A_172, %parallel_loop3A_435, %parallel_loop3A_436] : memref<4x80x128xf32, #tpu.memory_space<vmem>> -> memref<1x80x128xf32, #tpu.memory_space<vmem>>
        %parallel_loop3A_438 = tpu.memref_squeeze %parallel_loop3A_437 : memref<1x80x128xf32, #tpu.memory_space<vmem>> -> memref<80x128xf32, #tpu.memory_space<vmem>>
        %parallel_loop3A_439 = arith.index_cast %parallel_loop3A_257 : i32 to index
        %parallel_loop3A_440 = arith.constant 112 : index
        %parallel_loop3A_441 = tpu.vector_load %parallel_loop3A_438[%parallel_loop3A_439, %parallel_loop3A_440] {strides = array<i32>} : memref<80x128xf32, #tpu.memory_space<vmem>>, vector<1x16xf32>,
        %parallel_loop3A_442 = vector.shape_cast %parallel_loop3A_441 : vector<1x16xf32> to vector<16xf32>
        %parallel_loop3A_443 = arith.constant 0 : i32
        %parallel_loop3A_444 = arith.constant 0 : i32
        %parallel_loop3A_445 = tpu.memref_slice %arg11[%parallel_loop3A_173, %parallel_loop3A_443, %parallel_loop3A_444] : memref<4x80x128xf32, #tpu.memory_space<vmem>> -> memref<1x80x128xf32, #tpu.memory_space<vmem>>
        %parallel_loop3A_446 = tpu.memref_squeeze %parallel_loop3A_445 : memref<1x80x128xf32, #tpu.memory_space<vmem>> -> memref<80x128xf32, #tpu.memory_space<vmem>>
        %parallel_loop3A_447 = arith.index_cast %parallel_loop3A_257 : i32 to index
        %parallel_loop3A_448 = arith.constant 112 : index
        %parallel_loop3A_449 = tpu.vector_load %parallel_loop3A_446[%parallel_loop3A_447, %parallel_loop3A_448] {strides = array<i32>} : memref<80x128xf32, #tpu.memory_space<vmem>>, vector<1x16xf32>,
        %parallel_loop3A_450 = vector.shape_cast %parallel_loop3A_449 : vector<1x16xf32> to vector<16xf32>
        %parallel_loop3A_451 = arith.mulf %parallel_loop3A_442, %parallel_loop3A_450 : vector<16xf32>
        %parallel_loop3A_452 = arith.addf %parallel_loop3A_332, %parallel_loop3A_349 : vector<16xf32>
        %parallel_loop3A_453 = arith.addf %parallel_loop3A_366, %parallel_loop3A_383 : vector<16xf32>
        %parallel_loop3A_454 = arith.addf %parallel_loop3A_400, %parallel_loop3A_417 : vector<16xf32>
        %parallel_loop3A_455 = arith.addf %parallel_loop3A_434, %parallel_loop3A_451 : vector<16xf32>
        %parallel_loop3A_456 = arith.addf %parallel_loop3A_452, %parallel_loop3A_453 : vector<16xf32>
        %parallel_loop3A_457 = arith.addf %parallel_loop3A_454, %parallel_loop3A_455 : vector<16xf32>
        %parallel_loop3A_458 = arith.addf %parallel_loop3A_456, %parallel_loop3A_457 : vector<16xf32>
        %parallel_loop3A_459 = arith.mulf %parallel_loop3A_458, %parallel_loop3A_315 : vector<16xf32>
        %parallel_loop3A_460 = arith.addf %parallel_loop3A_258, %parallel_loop3A_459 : vector<16xf32>
        scf.yield %parallel_loop3A_460 : vector<16xf32>
      } {sc.loop_unroll_factor = 4 : i64, sc.parallel_access}
      %mul3A_175 = arith.constant 4 : i32
      %mul3A_176 = arith.muli %scan3A_95, %mul3A_175 : i32
      %add3A_177 = arith.constant 2 : i32
      %add3A_178 = arith.addi %mul3A_176, %add3A_177 : i32
      %add3A_179 = arith.constant 4 : i32
      %add3A_180 = arith.addi %add3A_178, %add3A_179 : i32
      %sub3A_181 = arith.constant 1 : i32
      %sub3A_182 = arith.subi %add3A_180, %sub3A_181 : i32
      %lt3A_183 = arith.constant 125 : i32
      %lt3A_184 = arith.cmpi slt, %sub3A_182, %lt3A_183 : i32
      %convert_element_type3A_185 = arith.extui %lt3A_184 : i1 to i32
      %cond3A_186 = arith.constant 0 : i32
      %cond3A_187 = arith.cmpi ne, %convert_element_type3A_185, %cond3A_186 : i32
      scf.if %cond3A_187 {
        %add3A_257 = arith.constant 4 : i32
        %add3A_258 = arith.addi %add3A_178, %add3A_257 : i32
        %sub3A_259 = arith.constant 1 : i32
        %sub3A_260 = arith.subi %add3A_258, %sub3A_259 : i32
        %mul3A_261 = arith.constant 80 : i32
        %mul3A_262 = arith.muli %sub3A_260, %mul3A_261 : i32
        %mul3A_263 = arith.constant 80 : i32
        %mul3A_264 = arith.muli %sub3A_260, %mul3A_263 : i32
        %dma_start3A_265 = arith.constant 1 : i32
        %dma_start3A_266 = arith.constant 0 : i32
        %dma_start3A_267 = arith.constant 0 : i32
        %dma_start3A_268 = tpu.memref_slice %arg10[%dma_start3A_265, %dma_start3A_266, %dma_start3A_267] : memref<4x80x128xf32, #tpu.memory_space<vmem>> -> memref<1x80x128xf32, #tpu.memory_space<vmem>>
        %dma_start3A_269 = tpu.memref_squeeze %dma_start3A_268 : memref<1x80x128xf32, #tpu.memory_space<vmem>> -> memref<80x128xf32, #tpu.memory_space<vmem>>
        %dma_start3A_270 = tpu.memref_slice %arg7[%mul3A_262] : memref<10000xi32, #tpu.memory_space<vmem>> -> memref<80xi32, #tpu.memory_space<vmem>>
        %dma_start3A_271 = arith.constant 0 : i32
        %dma_start3A_272 = arith.constant 0 : i32
        %dma_start3A_273 = tpu.memref_slice %arg2[%dma_start3A_271, %dma_start3A_272] : memref<10000x128xf32, #tpu.memory_space<hbm>> -> memref<10000x128xf32, #tpu.memory_space<hbm>>
        tpu.enqueue_indirect_dma source(%dma_start3A_273 : memref<10000x128xf32, #tpu.memory_space<hbm>>) target(%dma_start3A_269 : memref<80x128xf32, #tpu.memory_space<vmem>>) offsets(%dma_start3A_270 : memref<80xi32, #tpu.memory_space<vmem>>) semaphore(%arg14 : memref<!tpu.dma_semaphore, #tpu.memory_space<semaphore_mem>>)
        %dma_start3A_274 = arith.constant 1 : i32
        %dma_start3A_275 = arith.constant 0 : i32
        %dma_start3A_276 = arith.constant 0 : i32
        %dma_start3A_277 = tpu.memref_slice %arg11[%dma_start3A_274, %dma_start3A_275, %dma_start3A_276] : memref<4x80x128xf32, #tpu.memory_space<vmem>> -> memref<1x80x128xf32, #tpu.memory_space<vmem>>
        %dma_start3A_278 = tpu.memref_squeeze %dma_start3A_277 : memref<1x80x128xf32, #tpu.memory_space<vmem>> -> memref<80x128xf32, #tpu.memory_space<vmem>>
        %dma_start3A_279 = tpu.memref_slice %arg8[%mul3A_264] : memref<10000xi32, #tpu.memory_space<vmem>> -> memref<80xi32, #tpu.memory_space<vmem>>
        %dma_start3A_280 = arith.constant 0 : i32
        %dma_start3A_281 = arith.constant 0 : i32
        %dma_start3A_282 = tpu.memref_slice %arg2[%dma_start3A_280, %dma_start3A_281] : memref<10000x128xf32, #tpu.memory_space<hbm>> -> memref<10000x128xf32, #tpu.memory_space<hbm>>
        tpu.enqueue_indirect_dma source(%dma_start3A_282 : memref<10000x128xf32, #tpu.memory_space<hbm>>) target(%dma_start3A_278 : memref<80x128xf32, #tpu.memory_space<vmem>>) offsets(%dma_start3A_279 : memref<80xi32, #tpu.memory_space<vmem>>) semaphore(%arg14 : memref<!tpu.dma_semaphore, #tpu.memory_space<semaphore_mem>>)
      } else {
      }
      %dma_wait3A_188 = arith.constant 2 : i32
      %dma_wait3A_189 = arith.constant 0 : i32
      %dma_wait3A_190 = arith.constant 0 : i32
      %dma_wait3A_191 = tpu.memref_slice %arg10[%dma_wait3A_188, %dma_wait3A_189, %dma_wait3A_190] : memref<4x80x128xf32, #tpu.memory_space<vmem>> -> memref<1x80x128xf32, #tpu.memory_space<vmem>>
      %dma_wait3A_192 = tpu.memref_squeeze %dma_wait3A_191 : memref<1x80x128xf32, #tpu.memory_space<vmem>> -> memref<80x128xf32, #tpu.memory_space<vmem>>
      %dma_wait3A_193 = arith.constant 0 : i32
      %dma_wait3A_194 = tpu.memref_slice %arg7[%dma_wait3A_193] : memref<10000xi32, #tpu.memory_space<vmem>> -> memref<80xi32, #tpu.memory_space<vmem>>
      %dma_wait3A_195 = arith.constant 0 : i32
      %dma_wait3A_196 = arith.constant 0 : i32
      %dma_wait3A_197 = tpu.memref_slice %arg2[%dma_wait3A_195, %dma_wait3A_196] : memref<10000x128xf32, #tpu.memory_space<hbm>> -> memref<10000x128xf32, #tpu.memory_space<hbm>>
      tpu.wait_indirect_dma semaphore(%arg15 : memref<!tpu.dma_semaphore, #tpu.memory_space<semaphore_mem>>) src(%dma_wait3A_197 : memref<10000x128xf32, #tpu.memory_space<hbm>>) dst(%dma_wait3A_192 : memref<80x128xf32, #tpu.memory_space<vmem>>)
      %dma_wait3A_198 = arith.constant 2 : i32
      %dma_wait3A_199 = arith.constant 0 : i32
      %dma_wait3A_200 = arith.constant 0 : i32
      %dma_wait3A_201 = tpu.memref_slice %arg11[%dma_wait3A_198, %dma_wait3A_199, %dma_wait3A_200] : memref<4x80x128xf32, #tpu.memory_space<vmem>> -> memref<1x80x128xf32, #tpu.memory_space<vmem>>
      %dma_wait3A_202 = tpu.memref_squeeze %dma_wait3A_201 : memref<1x80x128xf32, #tpu.memory_space<vmem>> -> memref<80x128xf32, #tpu.memory_space<vmem>>
      %dma_wait3A_203 = arith.constant 0 : i32
      %dma_wait3A_204 = tpu.memref_slice %arg8[%dma_wait3A_203] : memref<10000xi32, #tpu.memory_space<vmem>> -> memref<80xi32, #tpu.memory_space<vmem>>
      %dma_wait3A_205 = arith.constant 0 : i32
      %dma_wait3A_206 = arith.constant 0 : i32
      %dma_wait3A_207 = tpu.memref_slice %arg2[%dma_wait3A_205, %dma_wait3A_206] : memref<10000x128xf32, #tpu.memory_space<hbm>> -> memref<10000x128xf32, #tpu.memory_space<hbm>>
      tpu.wait_indirect_dma semaphore(%arg15 : memref<!tpu.dma_semaphore, #tpu.memory_space<semaphore_mem>>) src(%dma_wait3A_207 : memref<10000x128xf32, #tpu.memory_space<hbm>>) dst(%dma_wait3A_202 : memref<80x128xf32, #tpu.memory_space<vmem>>)
      %mul3A_208 = arith.constant 80 : i32
      %mul3A_209 = arith.muli %add3A_178, %mul3A_208 : i32
      %parallel_loop3A_210 = arith.constant 0 : i32
      %parallel_loop3A_211 = arith.constant 80 : i32
      %parallel_loop3A_212 = arith.constant 1 : i32
      %parallel_loop3A_213 = arith.constant 2 : i32
      %parallel_loop3A_214 = arith.constant 2 : i32
      %parallel_loop3A_215 = scf.for %parallel_loop3A_257 = %parallel_loop3A_210 to %parallel_loop3A_211 step %parallel_loop3A_212 iter_args(%parallel_loop3A_258 = %parallel_loop3A_174) -> (vector<16xf32>)  : i32 {
        %parallel_loop3A_259 = arith.constant 16 : i32
        %parallel_loop3A_260 = arith.divsi %parallel_loop3A_257, %parallel_loop3A_259 : i32
        %parallel_loop3A_261 = arith.constant 0 : i32
        %parallel_loop3A_262 = arith.cmpi sgt, %parallel_loop3A_257, %parallel_loop3A_261 : i32
        %parallel_loop3A_263 = arith.extui %parallel_loop3A_262 : i1 to i32
        %parallel_loop3A_264 = arith.constant 0 : i32
        %parallel_loop3A_265 = arith.cmpi slt, %parallel_loop3A_257, %parallel_loop3A_264 : i32
        %parallel_loop3A_266 = arith.extui %parallel_loop3A_265 : i1 to i32
        %parallel_loop3A_267 = arith.subi %parallel_loop3A_263, %parallel_loop3A_266 : i32
        %parallel_loop3A_268 = arith.constant 0 : i32
        %parallel_loop3A_269 = arith.cmpi sgt, %parallel_loop3A_259, %parallel_loop3A_268 : i32
        %parallel_loop3A_270 = arith.extui %parallel_loop3A_269 : i1 to i32
        %parallel_loop3A_271 = arith.constant 0 : i32
        %parallel_loop3A_272 = arith.cmpi slt, %parallel_loop3A_259, %parallel_loop3A_271 : i32
        %parallel_loop3A_273 = arith.extui %parallel_loop3A_272 : i1 to i32
        %parallel_loop3A_274 = arith.subi %parallel_loop3A_270, %parallel_loop3A_273 : i32
        %parallel_loop3A_275 = arith.cmpi ne, %parallel_loop3A_267, %parallel_loop3A_274 : i32
        %parallel_loop3A_276 = arith.remsi %parallel_loop3A_257, %parallel_loop3A_259 : i32
        %parallel_loop3A_277 = arith.constant 0 : i32
        %parallel_loop3A_278 = arith.cmpi ne, %parallel_loop3A_276, %parallel_loop3A_277 : i32
        %parallel_loop3A_279 = arith.andi %parallel_loop3A_275, %parallel_loop3A_278 : i1
        %parallel_loop3A_280 = arith.constant 1 : i32
        %parallel_loop3A_281 = arith.subi %parallel_loop3A_260, %parallel_loop3A_280 : i32
        %parallel_loop3A_282 = arith.select %parallel_loop3A_279, %parallel_loop3A_281, %parallel_loop3A_260 : i32
        %parallel_loop3A_283 = arith.constant 16 : i32
        %parallel_loop3A_284 = arith.muli %parallel_loop3A_282, %parallel_loop3A_283 : i32
        %parallel_loop3A_285 = arith.addi %mul3A_209, %parallel_loop3A_284 : i32
        %parallel_loop3A_286 = arith.index_cast %parallel_loop3A_285 : i32 to index
        %parallel_loop3A_287 = tpu.vector_load %arg9[%parallel_loop3A_286] {strides = array<i32>} : memref<10000xf32, #tpu.memory_space<vmem>>, vector<16xf32>,
        %parallel_loop3A_288 = vector.shape_cast %parallel_loop3A_287 : vector<16xf32> to vector<16xf32>
        %parallel_loop3A_289 = arith.constant 16 : i32
        %parallel_loop3A_290 = arith.constant 0 : i32
        %parallel_loop3A_291 = arith.cmpi eq, %parallel_loop3A_289, %parallel_loop3A_290 : i32
        %parallel_loop3A_292 = arith.constant 1 : i32
        %parallel_loop3A_293 = arith.select %parallel_loop3A_291, %parallel_loop3A_292, %parallel_loop3A_289 : i32
        %parallel_loop3A_294 = arith.remsi %parallel_loop3A_257, %parallel_loop3A_293 : i32
        %parallel_loop3A_295 = arith.constant 0 : i32
        %parallel_loop3A_296 = arith.cmpi ne, %parallel_loop3A_294, %parallel_loop3A_295 : i32
        %parallel_loop3A_297 = arith.constant 0 : i32
        %parallel_loop3A_298 = arith.cmpi slt, %parallel_loop3A_294, %parallel_loop3A_297 : i32
        %parallel_loop3A_299 = arith.constant 0 : i32
        %parallel_loop3A_300 = arith.cmpi slt, %parallel_loop3A_293, %parallel_loop3A_299 : i32
        %parallel_loop3A_301 = arith.xori %parallel_loop3A_298, %parallel_loop3A_300 : i1
        %parallel_loop3A_302 = arith.andi %parallel_loop3A_301, %parallel_loop3A_296 : i1
        %parallel_loop3A_303 = arith.addi %parallel_loop3A_294, %parallel_loop3A_293 : i32
        %parallel_loop3A_304 = arith.select %parallel_loop3A_302, %parallel_loop3A_303, %parallel_loop3A_294 : i32
        %parallel_loop3A_305 = vector.broadcast %parallel_loop3A_304 : i32 to vector<16xi32>
        %parallel_loop3A_306 = arith.constant 0 : i32
        %parallel_loop3A_307 = vector.broadcast %parallel_loop3A_306 : i32 to vector<16xi32>
        %parallel_loop3A_308 = arith.cmpi slt, %parallel_loop3A_305, %parallel_loop3A_307 : vector<16xi32>
        %parallel_loop3A_309 = arith.constant 16 : i32
        %parallel_loop3A_310 = vector.broadcast %parallel_loop3A_309 : i32 to vector<16xi32>
        %parallel_loop3A_311 = arith.addi %parallel_loop3A_305, %parallel_loop3A_310 : vector<16xi32>
        %parallel_loop3A_312 = arith.select %parallel_loop3A_308, %parallel_loop3A_311, %parallel_loop3A_305 : vector<16xi1>, vector<16xi32>
        %parallel_loop3A_313 = vector.shape_cast %parallel_loop3A_312 : vector<16xi32> to vector<16x1xi32>
        %parallel_loop3A_314 = vector.shape_cast %parallel_loop3A_313 : vector<16x1xi32> to vector<16xi32>
        %parallel_loop3A_315 = tpu.dynamic_gather %parallel_loop3A_288[%parallel_loop3A_314] in [0] : vector<16xf32>, vector<16xi32> -> vector<16xf32>
        %parallel_loop3A_316 = arith.constant 0 : i32
        %parallel_loop3A_317 = arith.constant 0 : i32
        %parallel_loop3A_318 = tpu.memref_slice %arg10[%parallel_loop3A_213, %parallel_loop3A_316, %parallel_loop3A_317] : memref<4x80x128xf32, #tpu.memory_space<vmem>> -> memref<1x80x128xf32, #tpu.memory_space<vmem>>
        %parallel_loop3A_319 = tpu.memref_squeeze %parallel_loop3A_318 : memref<1x80x128xf32, #tpu.memory_space<vmem>> -> memref<80x128xf32, #tpu.memory_space<vmem>>
        %parallel_loop3A_320 = arith.index_cast %parallel_loop3A_257 : i32 to index
        %parallel_loop3A_321 = arith.constant 0 : index
        %parallel_loop3A_322 = tpu.vector_load %parallel_loop3A_319[%parallel_loop3A_320, %parallel_loop3A_321] {strides = array<i32>} : memref<80x128xf32, #tpu.memory_space<vmem>>, vector<1x16xf32>,
        %parallel_loop3A_323 = vector.shape_cast %parallel_loop3A_322 : vector<1x16xf32> to vector<16xf32>
        %parallel_loop3A_324 = arith.constant 0 : i32
        %parallel_loop3A_325 = arith.constant 0 : i32
        %parallel_loop3A_326 = tpu.memref_slice %arg11[%parallel_loop3A_214, %parallel_loop3A_324, %parallel_loop3A_325] : memref<4x80x128xf32, #tpu.memory_space<vmem>> -> memref<1x80x128xf32, #tpu.memory_space<vmem>>
        %parallel_loop3A_327 = tpu.memref_squeeze %parallel_loop3A_326 : memref<1x80x128xf32, #tpu.memory_space<vmem>> -> memref<80x128xf32, #tpu.memory_space<vmem>>
        %parallel_loop3A_328 = arith.index_cast %parallel_loop3A_257 : i32 to index
        %parallel_loop3A_329 = arith.constant 0 : index
        %parallel_loop3A_330 = tpu.vector_load %parallel_loop3A_327[%parallel_loop3A_328, %parallel_loop3A_329] {strides = array<i32>} : memref<80x128xf32, #tpu.memory_space<vmem>>, vector<1x16xf32>,
        %parallel_loop3A_331 = vector.shape_cast %parallel_loop3A_330 : vector<1x16xf32> to vector<16xf32>
        %parallel_loop3A_332 = arith.mulf %parallel_loop3A_323, %parallel_loop3A_331 : vector<16xf32>
        %parallel_loop3A_333 = arith.constant 0 : i32
        %parallel_loop3A_334 = arith.constant 0 : i32
        %parallel_loop3A_335 = tpu.memref_slice %arg10[%parallel_loop3A_213, %parallel_loop3A_333, %parallel_loop3A_334] : memref<4x80x128xf32, #tpu.memory_space<vmem>> -> memref<1x80x128xf32, #tpu.memory_space<vmem>>
        %parallel_loop3A_336 = tpu.memref_squeeze %parallel_loop3A_335 : memref<1x80x128xf32, #tpu.memory_space<vmem>> -> memref<80x128xf32, #tpu.memory_space<vmem>>
        %parallel_loop3A_337 = arith.index_cast %parallel_loop3A_257 : i32 to index
        %parallel_loop3A_338 = arith.constant 16 : index
        %parallel_loop3A_339 = tpu.vector_load %parallel_loop3A_336[%parallel_loop3A_337, %parallel_loop3A_338] {strides = array<i32>} : memref<80x128xf32, #tpu.memory_space<vmem>>, vector<1x16xf32>,
        %parallel_loop3A_340 = vector.shape_cast %parallel_loop3A_339 : vector<1x16xf32> to vector<16xf32>
        %parallel_loop3A_341 = arith.constant 0 : i32
        %parallel_loop3A_342 = arith.constant 0 : i32
        %parallel_loop3A_343 = tpu.memref_slice %arg11[%parallel_loop3A_214, %parallel_loop3A_341, %parallel_loop3A_342] : memref<4x80x128xf32, #tpu.memory_space<vmem>> -> memref<1x80x128xf32, #tpu.memory_space<vmem>>
        %parallel_loop3A_344 = tpu.memref_squeeze %parallel_loop3A_343 : memref<1x80x128xf32, #tpu.memory_space<vmem>> -> memref<80x128xf32, #tpu.memory_space<vmem>>
        %parallel_loop3A_345 = arith.index_cast %parallel_loop3A_257 : i32 to index
        %parallel_loop3A_346 = arith.constant 16 : index
        %parallel_loop3A_347 = tpu.vector_load %parallel_loop3A_344[%parallel_loop3A_345, %parallel_loop3A_346] {strides = array<i32>} : memref<80x128xf32, #tpu.memory_space<vmem>>, vector<1x16xf32>,
        %parallel_loop3A_348 = vector.shape_cast %parallel_loop3A_347 : vector<1x16xf32> to vector<16xf32>
        %parallel_loop3A_349 = arith.mulf %parallel_loop3A_340, %parallel_loop3A_348 : vector<16xf32>
        %parallel_loop3A_350 = arith.constant 0 : i32
        %parallel_loop3A_351 = arith.constant 0 : i32
        %parallel_loop3A_352 = tpu.memref_slice %arg10[%parallel_loop3A_213, %parallel_loop3A_350, %parallel_loop3A_351] : memref<4x80x128xf32, #tpu.memory_space<vmem>> -> memref<1x80x128xf32, #tpu.memory_space<vmem>>
        %parallel_loop3A_353 = tpu.memref_squeeze %parallel_loop3A_352 : memref<1x80x128xf32, #tpu.memory_space<vmem>> -> memref<80x128xf32, #tpu.memory_space<vmem>>
        %parallel_loop3A_354 = arith.index_cast %parallel_loop3A_257 : i32 to index
        %parallel_loop3A_355 = arith.constant 32 : index
        %parallel_loop3A_356 = tpu.vector_load %parallel_loop3A_353[%parallel_loop3A_354, %parallel_loop3A_355] {strides = array<i32>} : memref<80x128xf32, #tpu.memory_space<vmem>>, vector<1x16xf32>,
        %parallel_loop3A_357 = vector.shape_cast %parallel_loop3A_356 : vector<1x16xf32> to vector<16xf32>
        %parallel_loop3A_358 = arith.constant 0 : i32
        %parallel_loop3A_359 = arith.constant 0 : i32
        %parallel_loop3A_360 = tpu.memref_slice %arg11[%parallel_loop3A_214, %parallel_loop3A_358, %parallel_loop3A_359] : memref<4x80x128xf32, #tpu.memory_space<vmem>> -> memref<1x80x128xf32, #tpu.memory_space<vmem>>
        %parallel_loop3A_361 = tpu.memref_squeeze %parallel_loop3A_360 : memref<1x80x128xf32, #tpu.memory_space<vmem>> -> memref<80x128xf32, #tpu.memory_space<vmem>>
        %parallel_loop3A_362 = arith.index_cast %parallel_loop3A_257 : i32 to index
        %parallel_loop3A_363 = arith.constant 32 : index
        %parallel_loop3A_364 = tpu.vector_load %parallel_loop3A_361[%parallel_loop3A_362, %parallel_loop3A_363] {strides = array<i32>} : memref<80x128xf32, #tpu.memory_space<vmem>>, vector<1x16xf32>,
        %parallel_loop3A_365 = vector.shape_cast %parallel_loop3A_364 : vector<1x16xf32> to vector<16xf32>
        %parallel_loop3A_366 = arith.mulf %parallel_loop3A_357, %parallel_loop3A_365 : vector<16xf32>
        %parallel_loop3A_367 = arith.constant 0 : i32
        %parallel_loop3A_368 = arith.constant 0 : i32
        %parallel_loop3A_369 = tpu.memref_slice %arg10[%parallel_loop3A_213, %parallel_loop3A_367, %parallel_loop3A_368] : memref<4x80x128xf32, #tpu.memory_space<vmem>> -> memref<1x80x128xf32, #tpu.memory_space<vmem>>
        %parallel_loop3A_370 = tpu.memref_squeeze %parallel_loop3A_369 : memref<1x80x128xf32, #tpu.memory_space<vmem>> -> memref<80x128xf32, #tpu.memory_space<vmem>>
        %parallel_loop3A_371 = arith.index_cast %parallel_loop3A_257 : i32 to index
        %parallel_loop3A_372 = arith.constant 48 : index
        %parallel_loop3A_373 = tpu.vector_load %parallel_loop3A_370[%parallel_loop3A_371, %parallel_loop3A_372] {strides = array<i32>} : memref<80x128xf32, #tpu.memory_space<vmem>>, vector<1x16xf32>,
        %parallel_loop3A_374 = vector.shape_cast %parallel_loop3A_373 : vector<1x16xf32> to vector<16xf32>
        %parallel_loop3A_375 = arith.constant 0 : i32
        %parallel_loop3A_376 = arith.constant 0 : i32
        %parallel_loop3A_377 = tpu.memref_slice %arg11[%parallel_loop3A_214, %parallel_loop3A_375, %parallel_loop3A_376] : memref<4x80x128xf32, #tpu.memory_space<vmem>> -> memref<1x80x128xf32, #tpu.memory_space<vmem>>
        %parallel_loop3A_378 = tpu.memref_squeeze %parallel_loop3A_377 : memref<1x80x128xf32, #tpu.memory_space<vmem>> -> memref<80x128xf32, #tpu.memory_space<vmem>>
        %parallel_loop3A_379 = arith.index_cast %parallel_loop3A_257 : i32 to index
        %parallel_loop3A_380 = arith.constant 48 : index
        %parallel_loop3A_381 = tpu.vector_load %parallel_loop3A_378[%parallel_loop3A_379, %parallel_loop3A_380] {strides = array<i32>} : memref<80x128xf32, #tpu.memory_space<vmem>>, vector<1x16xf32>,
        %parallel_loop3A_382 = vector.shape_cast %parallel_loop3A_381 : vector<1x16xf32> to vector<16xf32>
        %parallel_loop3A_383 = arith.mulf %parallel_loop3A_374, %parallel_loop3A_382 : vector<16xf32>
        %parallel_loop3A_384 = arith.constant 0 : i32
        %parallel_loop3A_385 = arith.constant 0 : i32
        %parallel_loop3A_386 = tpu.memref_slice %arg10[%parallel_loop3A_213, %parallel_loop3A_384, %parallel_loop3A_385] : memref<4x80x128xf32, #tpu.memory_space<vmem>> -> memref<1x80x128xf32, #tpu.memory_space<vmem>>
        %parallel_loop3A_387 = tpu.memref_squeeze %parallel_loop3A_386 : memref<1x80x128xf32, #tpu.memory_space<vmem>> -> memref<80x128xf32, #tpu.memory_space<vmem>>
        %parallel_loop3A_388 = arith.index_cast %parallel_loop3A_257 : i32 to index
        %parallel_loop3A_389 = arith.constant 64 : index
        %parallel_loop3A_390 = tpu.vector_load %parallel_loop3A_387[%parallel_loop3A_388, %parallel_loop3A_389] {strides = array<i32>} : memref<80x128xf32, #tpu.memory_space<vmem>>, vector<1x16xf32>,
        %parallel_loop3A_391 = vector.shape_cast %parallel_loop3A_390 : vector<1x16xf32> to vector<16xf32>
        %parallel_loop3A_392 = arith.constant 0 : i32
        %parallel_loop3A_393 = arith.constant 0 : i32
        %parallel_loop3A_394 = tpu.memref_slice %arg11[%parallel_loop3A_214, %parallel_loop3A_392, %parallel_loop3A_393] : memref<4x80x128xf32, #tpu.memory_space<vmem>> -> memref<1x80x128xf32, #tpu.memory_space<vmem>>
        %parallel_loop3A_395 = tpu.memref_squeeze %parallel_loop3A_394 : memref<1x80x128xf32, #tpu.memory_space<vmem>> -> memref<80x128xf32, #tpu.memory_space<vmem>>
        %parallel_loop3A_396 = arith.index_cast %parallel_loop3A_257 : i32 to index
        %parallel_loop3A_397 = arith.constant 64 : index
        %parallel_loop3A_398 = tpu.vector_load %parallel_loop3A_395[%parallel_loop3A_396, %parallel_loop3A_397] {strides = array<i32>} : memref<80x128xf32, #tpu.memory_space<vmem>>, vector<1x16xf32>,
        %parallel_loop3A_399 = vector.shape_cast %parallel_loop3A_398 : vector<1x16xf32> to vector<16xf32>
        %parallel_loop3A_400 = arith.mulf %parallel_loop3A_391, %parallel_loop3A_399 : vector<16xf32>
        %parallel_loop3A_401 = arith.constant 0 : i32
        %parallel_loop3A_402 = arith.constant 0 : i32
        %parallel_loop3A_403 = tpu.memref_slice %arg10[%parallel_loop3A_213, %parallel_loop3A_401, %parallel_loop3A_402] : memref<4x80x128xf32, #tpu.memory_space<vmem>> -> memref<1x80x128xf32, #tpu.memory_space<vmem>>
        %parallel_loop3A_404 = tpu.memref_squeeze %parallel_loop3A_403 : memref<1x80x128xf32, #tpu.memory_space<vmem>> -> memref<80x128xf32, #tpu.memory_space<vmem>>
        %parallel_loop3A_405 = arith.index_cast %parallel_loop3A_257 : i32 to index
        %parallel_loop3A_406 = arith.constant 80 : index
        %parallel_loop3A_407 = tpu.vector_load %parallel_loop3A_404[%parallel_loop3A_405, %parallel_loop3A_406] {strides = array<i32>} : memref<80x128xf32, #tpu.memory_space<vmem>>, vector<1x16xf32>,
        %parallel_loop3A_408 = vector.shape_cast %parallel_loop3A_407 : vector<1x16xf32> to vector<16xf32>
        %parallel_loop3A_409 = arith.constant 0 : i32
        %parallel_loop3A_410 = arith.constant 0 : i32
        %parallel_loop3A_411 = tpu.memref_slice %arg11[%parallel_loop3A_214, %parallel_loop3A_409, %parallel_loop3A_410] : memref<4x80x128xf32, #tpu.memory_space<vmem>> -> memref<1x80x128xf32, #tpu.memory_space<vmem>>
        %parallel_loop3A_412 = tpu.memref_squeeze %parallel_loop3A_411 : memref<1x80x128xf32, #tpu.memory_space<vmem>> -> memref<80x128xf32, #tpu.memory_space<vmem>>
        %parallel_loop3A_413 = arith.index_cast %parallel_loop3A_257 : i32 to index
        %parallel_loop3A_414 = arith.constant 80 : index
        %parallel_loop3A_415 = tpu.vector_load %parallel_loop3A_412[%parallel_loop3A_413, %parallel_loop3A_414] {strides = array<i32>} : memref<80x128xf32, #tpu.memory_space<vmem>>, vector<1x16xf32>,
        %parallel_loop3A_416 = vector.shape_cast %parallel_loop3A_415 : vector<1x16xf32> to vector<16xf32>
        %parallel_loop3A_417 = arith.mulf %parallel_loop3A_408, %parallel_loop3A_416 : vector<16xf32>
        %parallel_loop3A_418 = arith.constant 0 : i32
        %parallel_loop3A_419 = arith.constant 0 : i32
        %parallel_loop3A_420 = tpu.memref_slice %arg10[%parallel_loop3A_213, %parallel_loop3A_418, %parallel_loop3A_419] : memref<4x80x128xf32, #tpu.memory_space<vmem>> -> memref<1x80x128xf32, #tpu.memory_space<vmem>>
        %parallel_loop3A_421 = tpu.memref_squeeze %parallel_loop3A_420 : memref<1x80x128xf32, #tpu.memory_space<vmem>> -> memref<80x128xf32, #tpu.memory_space<vmem>>
        %parallel_loop3A_422 = arith.index_cast %parallel_loop3A_257 : i32 to index
        %parallel_loop3A_423 = arith.constant 96 : index
        %parallel_loop3A_424 = tpu.vector_load %parallel_loop3A_421[%parallel_loop3A_422, %parallel_loop3A_423] {strides = array<i32>} : memref<80x128xf32, #tpu.memory_space<vmem>>, vector<1x16xf32>,
        %parallel_loop3A_425 = vector.shape_cast %parallel_loop3A_424 : vector<1x16xf32> to vector<16xf32>
        %parallel_loop3A_426 = arith.constant 0 : i32
        %parallel_loop3A_427 = arith.constant 0 : i32
        %parallel_loop3A_428 = tpu.memref_slice %arg11[%parallel_loop3A_214, %parallel_loop3A_426, %parallel_loop3A_427] : memref<4x80x128xf32, #tpu.memory_space<vmem>> -> memref<1x80x128xf32, #tpu.memory_space<vmem>>
        %parallel_loop3A_429 = tpu.memref_squeeze %parallel_loop3A_428 : memref<1x80x128xf32, #tpu.memory_space<vmem>> -> memref<80x128xf32, #tpu.memory_space<vmem>>
        %parallel_loop3A_430 = arith.index_cast %parallel_loop3A_257 : i32 to index
        %parallel_loop3A_431 = arith.constant 96 : index
        %parallel_loop3A_432 = tpu.vector_load %parallel_loop3A_429[%parallel_loop3A_430, %parallel_loop3A_431] {strides = array<i32>} : memref<80x128xf32, #tpu.memory_space<vmem>>, vector<1x16xf32>,
        %parallel_loop3A_433 = vector.shape_cast %parallel_loop3A_432 : vector<1x16xf32> to vector<16xf32>
        %parallel_loop3A_434 = arith.mulf %parallel_loop3A_425, %parallel_loop3A_433 : vector<16xf32>
        %parallel_loop3A_435 = arith.constant 0 : i32
        %parallel_loop3A_436 = arith.constant 0 : i32
        %parallel_loop3A_437 = tpu.memref_slice %arg10[%parallel_loop3A_213, %parallel_loop3A_435, %parallel_loop3A_436] : memref<4x80x128xf32, #tpu.memory_space<vmem>> -> memref<1x80x128xf32, #tpu.memory_space<vmem>>
        %parallel_loop3A_438 = tpu.memref_squeeze %parallel_loop3A_437 : memref<1x80x128xf32, #tpu.memory_space<vmem>> -> memref<80x128xf32, #tpu.memory_space<vmem>>
        %parallel_loop3A_439 = arith.index_cast %parallel_loop3A_257 : i32 to index
        %parallel_loop3A_440 = arith.constant 112 : index
        %parallel_loop3A_441 = tpu.vector_load %parallel_loop3A_438[%parallel_loop3A_439, %parallel_loop3A_440] {strides = array<i32>} : memref<80x128xf32, #tpu.memory_space<vmem>>, vector<1x16xf32>,
        %parallel_loop3A_442 = vector.shape_cast %parallel_loop3A_441 : vector<1x16xf32> to vector<16xf32>
        %parallel_loop3A_443 = arith.constant 0 : i32
        %parallel_loop3A_444 = arith.constant 0 : i32
        %parallel_loop3A_445 = tpu.memref_slice %arg11[%parallel_loop3A_214, %parallel_loop3A_443, %parallel_loop3A_444] : memref<4x80x128xf32, #tpu.memory_space<vmem>> -> memref<1x80x128xf32, #tpu.memory_space<vmem>>
        %parallel_loop3A_446 = tpu.memref_squeeze %parallel_loop3A_445 : memref<1x80x128xf32, #tpu.memory_space<vmem>> -> memref<80x128xf32, #tpu.memory_space<vmem>>
        %parallel_loop3A_447 = arith.index_cast %parallel_loop3A_257 : i32 to index
        %parallel_loop3A_448 = arith.constant 112 : index
        %parallel_loop3A_449 = tpu.vector_load %parallel_loop3A_446[%parallel_loop3A_447, %parallel_loop3A_448] {strides = array<i32>} : memref<80x128xf32, #tpu.memory_space<vmem>>, vector<1x16xf32>,
        %parallel_loop3A_450 = vector.shape_cast %parallel_loop3A_449 : vector<1x16xf32> to vector<16xf32>
        %parallel_loop3A_451 = arith.mulf %parallel_loop3A_442, %parallel_loop3A_450 : vector<16xf32>
        %parallel_loop3A_452 = arith.addf %parallel_loop3A_332, %parallel_loop3A_349 : vector<16xf32>
        %parallel_loop3A_453 = arith.addf %parallel_loop3A_366, %parallel_loop3A_383 : vector<16xf32>
        %parallel_loop3A_454 = arith.addf %parallel_loop3A_400, %parallel_loop3A_417 : vector<16xf32>
        %parallel_loop3A_455 = arith.addf %parallel_loop3A_434, %parallel_loop3A_451 : vector<16xf32>
        %parallel_loop3A_456 = arith.addf %parallel_loop3A_452, %parallel_loop3A_453 : vector<16xf32>
        %parallel_loop3A_457 = arith.addf %parallel_loop3A_454, %parallel_loop3A_455 : vector<16xf32>
        %parallel_loop3A_458 = arith.addf %parallel_loop3A_456, %parallel_loop3A_457 : vector<16xf32>
        %parallel_loop3A_459 = arith.mulf %parallel_loop3A_458, %parallel_loop3A_315 : vector<16xf32>
        %parallel_loop3A_460 = arith.addf %parallel_loop3A_258, %parallel_loop3A_459 : vector<16xf32>
        scf.yield %parallel_loop3A_460 : vector<16xf32>
      } {sc.loop_unroll_factor = 4 : i64, sc.parallel_access}
      %mul3A_216 = arith.constant 4 : i32
      %mul3A_217 = arith.muli %scan3A_95, %mul3A_216 : i32
      %add3A_218 = arith.constant 3 : i32
      %add3A_219 = arith.addi %mul3A_217, %add3A_218 : i32
      %add3A_220 = arith.constant 4 : i32
      %add3A_221 = arith.addi %add3A_219, %add3A_220 : i32
      %sub3A_222 = arith.constant 1 : i32
      %sub3A_223 = arith.subi %add3A_221, %sub3A_222 : i32
      %lt3A_224 = arith.constant 125 : i32
      %lt3A_225 = arith.cmpi slt, %sub3A_223, %lt3A_224 : i32
      %convert_element_type3A_226 = arith.extui %lt3A_225 : i1 to i32
      %cond3A_227 = arith.constant 0 : i32
      %cond3A_228 = arith.cmpi ne, %convert_element_type3A_226, %cond3A_227 : i32
      scf.if %cond3A_228 {
        %add3A_257 = arith.constant 4 : i32
        %add3A_258 = arith.addi %add3A_219, %add3A_257 : i32
        %sub3A_259 = arith.constant 1 : i32
        %sub3A_260 = arith.subi %add3A_258, %sub3A_259 : i32
        %mul3A_261 = arith.constant 80 : i32
        %mul3A_262 = arith.muli %sub3A_260, %mul3A_261 : i32
        %mul3A_263 = arith.constant 80 : i32
        %mul3A_264 = arith.muli %sub3A_260, %mul3A_263 : i32
        %dma_start3A_265 = arith.constant 2 : i32
        %dma_start3A_266 = arith.constant 0 : i32
        %dma_start3A_267 = arith.constant 0 : i32
        %dma_start3A_268 = tpu.memref_slice %arg10[%dma_start3A_265, %dma_start3A_266, %dma_start3A_267] : memref<4x80x128xf32, #tpu.memory_space<vmem>> -> memref<1x80x128xf32, #tpu.memory_space<vmem>>
        %dma_start3A_269 = tpu.memref_squeeze %dma_start3A_268 : memref<1x80x128xf32, #tpu.memory_space<vmem>> -> memref<80x128xf32, #tpu.memory_space<vmem>>
        %dma_start3A_270 = tpu.memref_slice %arg7[%mul3A_262] : memref<10000xi32, #tpu.memory_space<vmem>> -> memref<80xi32, #tpu.memory_space<vmem>>
        %dma_start3A_271 = arith.constant 0 : i32
        %dma_start3A_272 = arith.constant 0 : i32
        %dma_start3A_273 = tpu.memref_slice %arg2[%dma_start3A_271, %dma_start3A_272] : memref<10000x128xf32, #tpu.memory_space<hbm>> -> memref<10000x128xf32, #tpu.memory_space<hbm>>
        tpu.enqueue_indirect_dma source(%dma_start3A_273 : memref<10000x128xf32, #tpu.memory_space<hbm>>) target(%dma_start3A_269 : memref<80x128xf32, #tpu.memory_space<vmem>>) offsets(%dma_start3A_270 : memref<80xi32, #tpu.memory_space<vmem>>) semaphore(%arg15 : memref<!tpu.dma_semaphore, #tpu.memory_space<semaphore_mem>>)
        %dma_start3A_274 = arith.constant 2 : i32
        %dma_start3A_275 = arith.constant 0 : i32
        %dma_start3A_276 = arith.constant 0 : i32
        %dma_start3A_277 = tpu.memref_slice %arg11[%dma_start3A_274, %dma_start3A_275, %dma_start3A_276] : memref<4x80x128xf32, #tpu.memory_space<vmem>> -> memref<1x80x128xf32, #tpu.memory_space<vmem>>
        %dma_start3A_278 = tpu.memref_squeeze %dma_start3A_277 : memref<1x80x128xf32, #tpu.memory_space<vmem>> -> memref<80x128xf32, #tpu.memory_space<vmem>>
        %dma_start3A_279 = tpu.memref_slice %arg8[%mul3A_264] : memref<10000xi32, #tpu.memory_space<vmem>> -> memref<80xi32, #tpu.memory_space<vmem>>
        %dma_start3A_280 = arith.constant 0 : i32
        %dma_start3A_281 = arith.constant 0 : i32
        %dma_start3A_282 = tpu.memref_slice %arg2[%dma_start3A_280, %dma_start3A_281] : memref<10000x128xf32, #tpu.memory_space<hbm>> -> memref<10000x128xf32, #tpu.memory_space<hbm>>
        tpu.enqueue_indirect_dma source(%dma_start3A_282 : memref<10000x128xf32, #tpu.memory_space<hbm>>) target(%dma_start3A_278 : memref<80x128xf32, #tpu.memory_space<vmem>>) offsets(%dma_start3A_279 : memref<80xi32, #tpu.memory_space<vmem>>) semaphore(%arg15 : memref<!tpu.dma_semaphore, #tpu.memory_space<semaphore_mem>>)
      } else {
      }
      %dma_wait3A_229 = arith.constant 3 : i32
      %dma_wait3A_230 = arith.constant 0 : i32
      %dma_wait3A_231 = arith.constant 0 : i32
      %dma_wait3A_232 = tpu.memref_slice %arg10[%dma_wait3A_229, %dma_wait3A_230, %dma_wait3A_231] : memref<4x80x128xf32, #tpu.memory_space<vmem>> -> memref<1x80x128xf32, #tpu.memory_space<vmem>>
      %dma_wait3A_233 = tpu.memref_squeeze %dma_wait3A_232 : memref<1x80x128xf32, #tpu.memory_space<vmem>> -> memref<80x128xf32, #tpu.memory_space<vmem>>
      %dma_wait3A_234 = arith.constant 0 : i32
      %dma_wait3A_235 = tpu.memref_slice %arg7[%dma_wait3A_234] : memref<10000xi32, #tpu.memory_space<vmem>> -> memref<80xi32, #tpu.memory_space<vmem>>
      %dma_wait3A_236 = arith.constant 0 : i32
      %dma_wait3A_237 = arith.constant 0 : i32
      %dma_wait3A_238 = tpu.memref_slice %arg2[%dma_wait3A_236, %dma_wait3A_237] : memref<10000x128xf32, #tpu.memory_space<hbm>> -> memref<10000x128xf32, #tpu.memory_space<hbm>>
      tpu.wait_indirect_dma semaphore(%arg16 : memref<!tpu.dma_semaphore, #tpu.memory_space<semaphore_mem>>) src(%dma_wait3A_238 : memref<10000x128xf32, #tpu.memory_space<hbm>>) dst(%dma_wait3A_233 : memref<80x128xf32, #tpu.memory_space<vmem>>)
      %dma_wait3A_239 = arith.constant 3 : i32
      %dma_wait3A_240 = arith.constant 0 : i32
      %dma_wait3A_241 = arith.constant 0 : i32
      %dma_wait3A_242 = tpu.memref_slice %arg11[%dma_wait3A_239, %dma_wait3A_240, %dma_wait3A_241] : memref<4x80x128xf32, #tpu.memory_space<vmem>> -> memref<1x80x128xf32, #tpu.memory_space<vmem>>
      %dma_wait3A_243 = tpu.memref_squeeze %dma_wait3A_242 : memref<1x80x128xf32, #tpu.memory_space<vmem>> -> memref<80x128xf32, #tpu.memory_space<vmem>>
      %dma_wait3A_244 = arith.constant 0 : i32
      %dma_wait3A_245 = tpu.memref_slice %arg8[%dma_wait3A_244] : memref<10000xi32, #tpu.memory_space<vmem>> -> memref<80xi32, #tpu.memory_space<vmem>>
      %dma_wait3A_246 = arith.constant 0 : i32
      %dma_wait3A_247 = arith.constant 0 : i32
      %dma_wait3A_248 = tpu.memref_slice %arg2[%dma_wait3A_246, %dma_wait3A_247] : memref<10000x128xf32, #tpu.memory_space<hbm>> -> memref<10000x128xf32, #tpu.memory_space<hbm>>
      tpu.wait_indirect_dma semaphore(%arg16 : memref<!tpu.dma_semaphore, #tpu.memory_space<semaphore_mem>>) src(%dma_wait3A_248 : memref<10000x128xf32, #tpu.memory_space<hbm>>) dst(%dma_wait3A_243 : memref<80x128xf32, #tpu.memory_space<vmem>>)
      %mul3A_249 = arith.constant 80 : i32
      %mul3A_250 = arith.muli %add3A_219, %mul3A_249 : i32
      %parallel_loop3A_251 = arith.constant 0 : i32
      %parallel_loop3A_252 = arith.constant 80 : i32
      %parallel_loop3A_253 = arith.constant 1 : i32
      %parallel_loop3A_254 = arith.constant 3 : i32
      %parallel_loop3A_255 = arith.constant 3 : i32
      %parallel_loop3A_256 = scf.for %parallel_loop3A_257 = %parallel_loop3A_251 to %parallel_loop3A_252 step %parallel_loop3A_253 iter_args(%parallel_loop3A_258 = %parallel_loop3A_215) -> (vector<16xf32>)  : i32 {
        %parallel_loop3A_259 = arith.constant 16 : i32
        %parallel_loop3A_260 = arith.divsi %parallel_loop3A_257, %parallel_loop3A_259 : i32
        %parallel_loop3A_261 = arith.constant 0 : i32
        %parallel_loop3A_262 = arith.cmpi sgt, %parallel_loop3A_257, %parallel_loop3A_261 : i32
        %parallel_loop3A_263 = arith.extui %parallel_loop3A_262 : i1 to i32
        %parallel_loop3A_264 = arith.constant 0 : i32
        %parallel_loop3A_265 = arith.cmpi slt, %parallel_loop3A_257, %parallel_loop3A_264 : i32
        %parallel_loop3A_266 = arith.extui %parallel_loop3A_265 : i1 to i32
        %parallel_loop3A_267 = arith.subi %parallel_loop3A_263, %parallel_loop3A_266 : i32
        %parallel_loop3A_268 = arith.constant 0 : i32
        %parallel_loop3A_269 = arith.cmpi sgt, %parallel_loop3A_259, %parallel_loop3A_268 : i32
        %parallel_loop3A_270 = arith.extui %parallel_loop3A_269 : i1 to i32
        %parallel_loop3A_271 = arith.constant 0 : i32
        %parallel_loop3A_272 = arith.cmpi slt, %parallel_loop3A_259, %parallel_loop3A_271 : i32
        %parallel_loop3A_273 = arith.extui %parallel_loop3A_272 : i1 to i32
        %parallel_loop3A_274 = arith.subi %parallel_loop3A_270, %parallel_loop3A_273 : i32
        %parallel_loop3A_275 = arith.cmpi ne, %parallel_loop3A_267, %parallel_loop3A_274 : i32
        %parallel_loop3A_276 = arith.remsi %parallel_loop3A_257, %parallel_loop3A_259 : i32
        %parallel_loop3A_277 = arith.constant 0 : i32
        %parallel_loop3A_278 = arith.cmpi ne, %parallel_loop3A_276, %parallel_loop3A_277 : i32
        %parallel_loop3A_279 = arith.andi %parallel_loop3A_275, %parallel_loop3A_278 : i1
        %parallel_loop3A_280 = arith.constant 1 : i32
        %parallel_loop3A_281 = arith.subi %parallel_loop3A_260, %parallel_loop3A_280 : i32
        %parallel_loop3A_282 = arith.select %parallel_loop3A_279, %parallel_loop3A_281, %parallel_loop3A_260 : i32
        %parallel_loop3A_283 = arith.constant 16 : i32
        %parallel_loop3A_284 = arith.muli %parallel_loop3A_282, %parallel_loop3A_283 : i32
        %parallel_loop3A_285 = arith.addi %mul3A_250, %parallel_loop3A_284 : i32
        %parallel_loop3A_286 = arith.index_cast %parallel_loop3A_285 : i32 to index
        %parallel_loop3A_287 = tpu.vector_load %arg9[%parallel_loop3A_286] {strides = array<i32>} : memref<10000xf32, #tpu.memory_space<vmem>>, vector<16xf32>,
        %parallel_loop3A_288 = vector.shape_cast %parallel_loop3A_287 : vector<16xf32> to vector<16xf32>
        %parallel_loop3A_289 = arith.constant 16 : i32
        %parallel_loop3A_290 = arith.constant 0 : i32
        %parallel_loop3A_291 = arith.cmpi eq, %parallel_loop3A_289, %parallel_loop3A_290 : i32
        %parallel_loop3A_292 = arith.constant 1 : i32
        %parallel_loop3A_293 = arith.select %parallel_loop3A_291, %parallel_loop3A_292, %parallel_loop3A_289 : i32
        %parallel_loop3A_294 = arith.remsi %parallel_loop3A_257, %parallel_loop3A_293 : i32
        %parallel_loop3A_295 = arith.constant 0 : i32
        %parallel_loop3A_296 = arith.cmpi ne, %parallel_loop3A_294, %parallel_loop3A_295 : i32
        %parallel_loop3A_297 = arith.constant 0 : i32
        %parallel_loop3A_298 = arith.cmpi slt, %parallel_loop3A_294, %parallel_loop3A_297 : i32
        %parallel_loop3A_299 = arith.constant 0 : i32
        %parallel_loop3A_300 = arith.cmpi slt, %parallel_loop3A_293, %parallel_loop3A_299 : i32
        %parallel_loop3A_301 = arith.xori %parallel_loop3A_298, %parallel_loop3A_300 : i1
        %parallel_loop3A_302 = arith.andi %parallel_loop3A_301, %parallel_loop3A_296 : i1
        %parallel_loop3A_303 = arith.addi %parallel_loop3A_294, %parallel_loop3A_293 : i32
        %parallel_loop3A_304 = arith.select %parallel_loop3A_302, %parallel_loop3A_303, %parallel_loop3A_294 : i32
        %parallel_loop3A_305 = vector.broadcast %parallel_loop3A_304 : i32 to vector<16xi32>
        %parallel_loop3A_306 = arith.constant 0 : i32
        %parallel_loop3A_307 = vector.broadcast %parallel_loop3A_306 : i32 to vector<16xi32>
        %parallel_loop3A_308 = arith.cmpi slt, %parallel_loop3A_305, %parallel_loop3A_307 : vector<16xi32>
        %parallel_loop3A_309 = arith.constant 16 : i32
        %parallel_loop3A_310 = vector.broadcast %parallel_loop3A_309 : i32 to vector<16xi32>
        %parallel_loop3A_311 = arith.addi %parallel_loop3A_305, %parallel_loop3A_310 : vector<16xi32>
        %parallel_loop3A_312 = arith.select %parallel_loop3A_308, %parallel_loop3A_311, %parallel_loop3A_305 : vector<16xi1>, vector<16xi32>
        %parallel_loop3A_313 = vector.shape_cast %parallel_loop3A_312 : vector<16xi32> to vector<16x1xi32>
        %parallel_loop3A_314 = vector.shape_cast %parallel_loop3A_313 : vector<16x1xi32> to vector<16xi32>
        %parallel_loop3A_315 = tpu.dynamic_gather %parallel_loop3A_288[%parallel_loop3A_314] in [0] : vector<16xf32>, vector<16xi32> -> vector<16xf32>
        %parallel_loop3A_316 = arith.constant 0 : i32
        %parallel_loop3A_317 = arith.constant 0 : i32
        %parallel_loop3A_318 = tpu.memref_slice %arg10[%parallel_loop3A_254, %parallel_loop3A_316, %parallel_loop3A_317] : memref<4x80x128xf32, #tpu.memory_space<vmem>> -> memref<1x80x128xf32, #tpu.memory_space<vmem>>
        %parallel_loop3A_319 = tpu.memref_squeeze %parallel_loop3A_318 : memref<1x80x128xf32, #tpu.memory_space<vmem>> -> memref<80x128xf32, #tpu.memory_space<vmem>>
        %parallel_loop3A_320 = arith.index_cast %parallel_loop3A_257 : i32 to index
        %parallel_loop3A_321 = arith.constant 0 : index
        %parallel_loop3A_322 = tpu.vector_load %parallel_loop3A_319[%parallel_loop3A_320, %parallel_loop3A_321] {strides = array<i32>} : memref<80x128xf32, #tpu.memory_space<vmem>>, vector<1x16xf32>,
        %parallel_loop3A_323 = vector.shape_cast %parallel_loop3A_322 : vector<1x16xf32> to vector<16xf32>
        %parallel_loop3A_324 = arith.constant 0 : i32
        %parallel_loop3A_325 = arith.constant 0 : i32
        %parallel_loop3A_326 = tpu.memref_slice %arg11[%parallel_loop3A_255, %parallel_loop3A_324, %parallel_loop3A_325] : memref<4x80x128xf32, #tpu.memory_space<vmem>> -> memref<1x80x128xf32, #tpu.memory_space<vmem>>
        %parallel_loop3A_327 = tpu.memref_squeeze %parallel_loop3A_326 : memref<1x80x128xf32, #tpu.memory_space<vmem>> -> memref<80x128xf32, #tpu.memory_space<vmem>>
        %parallel_loop3A_328 = arith.index_cast %parallel_loop3A_257 : i32 to index
        %parallel_loop3A_329 = arith.constant 0 : index
        %parallel_loop3A_330 = tpu.vector_load %parallel_loop3A_327[%parallel_loop3A_328, %parallel_loop3A_329] {strides = array<i32>} : memref<80x128xf32, #tpu.memory_space<vmem>>, vector<1x16xf32>,
        %parallel_loop3A_331 = vector.shape_cast %parallel_loop3A_330 : vector<1x16xf32> to vector<16xf32>
        %parallel_loop3A_332 = arith.mulf %parallel_loop3A_323, %parallel_loop3A_331 : vector<16xf32>
        %parallel_loop3A_333 = arith.constant 0 : i32
        %parallel_loop3A_334 = arith.constant 0 : i32
        %parallel_loop3A_335 = tpu.memref_slice %arg10[%parallel_loop3A_254, %parallel_loop3A_333, %parallel_loop3A_334] : memref<4x80x128xf32, #tpu.memory_space<vmem>> -> memref<1x80x128xf32, #tpu.memory_space<vmem>>
        %parallel_loop3A_336 = tpu.memref_squeeze %parallel_loop3A_335 : memref<1x80x128xf32, #tpu.memory_space<vmem>> -> memref<80x128xf32, #tpu.memory_space<vmem>>
        %parallel_loop3A_337 = arith.index_cast %parallel_loop3A_257 : i32 to index
        %parallel_loop3A_338 = arith.constant 16 : index
        %parallel_loop3A_339 = tpu.vector_load %parallel_loop3A_336[%parallel_loop3A_337, %parallel_loop3A_338] {strides = array<i32>} : memref<80x128xf32, #tpu.memory_space<vmem>>, vector<1x16xf32>,
        %parallel_loop3A_340 = vector.shape_cast %parallel_loop3A_339 : vector<1x16xf32> to vector<16xf32>
        %parallel_loop3A_341 = arith.constant 0 : i32
        %parallel_loop3A_342 = arith.constant 0 : i32
        %parallel_loop3A_343 = tpu.memref_slice %arg11[%parallel_loop3A_255, %parallel_loop3A_341, %parallel_loop3A_342] : memref<4x80x128xf32, #tpu.memory_space<vmem>> -> memref<1x80x128xf32, #tpu.memory_space<vmem>>
        %parallel_loop3A_344 = tpu.memref_squeeze %parallel_loop3A_343 : memref<1x80x128xf32, #tpu.memory_space<vmem>> -> memref<80x128xf32, #tpu.memory_space<vmem>>
        %parallel_loop3A_345 = arith.index_cast %parallel_loop3A_257 : i32 to index
        %parallel_loop3A_346 = arith.constant 16 : index
        %parallel_loop3A_347 = tpu.vector_load %parallel_loop3A_344[%parallel_loop3A_345, %parallel_loop3A_346] {strides = array<i32>} : memref<80x128xf32, #tpu.memory_space<vmem>>, vector<1x16xf32>,
        %parallel_loop3A_348 = vector.shape_cast %parallel_loop3A_347 : vector<1x16xf32> to vector<16xf32>
        %parallel_loop3A_349 = arith.mulf %parallel_loop3A_340, %parallel_loop3A_348 : vector<16xf32>
        %parallel_loop3A_350 = arith.constant 0 : i32
        %parallel_loop3A_351 = arith.constant 0 : i32
        %parallel_loop3A_352 = tpu.memref_slice %arg10[%parallel_loop3A_254, %parallel_loop3A_350, %parallel_loop3A_351] : memref<4x80x128xf32, #tpu.memory_space<vmem>> -> memref<1x80x128xf32, #tpu.memory_space<vmem>>
        %parallel_loop3A_353 = tpu.memref_squeeze %parallel_loop3A_352 : memref<1x80x128xf32, #tpu.memory_space<vmem>> -> memref<80x128xf32, #tpu.memory_space<vmem>>
        %parallel_loop3A_354 = arith.index_cast %parallel_loop3A_257 : i32 to index
        %parallel_loop3A_355 = arith.constant 32 : index
        %parallel_loop3A_356 = tpu.vector_load %parallel_loop3A_353[%parallel_loop3A_354, %parallel_loop3A_355] {strides = array<i32>} : memref<80x128xf32, #tpu.memory_space<vmem>>, vector<1x16xf32>,
        %parallel_loop3A_357 = vector.shape_cast %parallel_loop3A_356 : vector<1x16xf32> to vector<16xf32>
        %parallel_loop3A_358 = arith.constant 0 : i32
        %parallel_loop3A_359 = arith.constant 0 : i32
        %parallel_loop3A_360 = tpu.memref_slice %arg11[%parallel_loop3A_255, %parallel_loop3A_358, %parallel_loop3A_359] : memref<4x80x128xf32, #tpu.memory_space<vmem>> -> memref<1x80x128xf32, #tpu.memory_space<vmem>>
        %parallel_loop3A_361 = tpu.memref_squeeze %parallel_loop3A_360 : memref<1x80x128xf32, #tpu.memory_space<vmem>> -> memref<80x128xf32, #tpu.memory_space<vmem>>
        %parallel_loop3A_362 = arith.index_cast %parallel_loop3A_257 : i32 to index
        %parallel_loop3A_363 = arith.constant 32 : index
        %parallel_loop3A_364 = tpu.vector_load %parallel_loop3A_361[%parallel_loop3A_362, %parallel_loop3A_363] {strides = array<i32>} : memref<80x128xf32, #tpu.memory_space<vmem>>, vector<1x16xf32>,
        %parallel_loop3A_365 = vector.shape_cast %parallel_loop3A_364 : vector<1x16xf32> to vector<16xf32>
        %parallel_loop3A_366 = arith.mulf %parallel_loop3A_357, %parallel_loop3A_365 : vector<16xf32>
        %parallel_loop3A_367 = arith.constant 0 : i32
        %parallel_loop3A_368 = arith.constant 0 : i32
        %parallel_loop3A_369 = tpu.memref_slice %arg10[%parallel_loop3A_254, %parallel_loop3A_367, %parallel_loop3A_368] : memref<4x80x128xf32, #tpu.memory_space<vmem>> -> memref<1x80x128xf32, #tpu.memory_space<vmem>>
        %parallel_loop3A_370 = tpu.memref_squeeze %parallel_loop3A_369 : memref<1x80x128xf32, #tpu.memory_space<vmem>> -> memref<80x128xf32, #tpu.memory_space<vmem>>
        %parallel_loop3A_371 = arith.index_cast %parallel_loop3A_257 : i32 to index
        %parallel_loop3A_372 = arith.constant 48 : index
        %parallel_loop3A_373 = tpu.vector_load %parallel_loop3A_370[%parallel_loop3A_371, %parallel_loop3A_372] {strides = array<i32>} : memref<80x128xf32, #tpu.memory_space<vmem>>, vector<1x16xf32>,
        %parallel_loop3A_374 = vector.shape_cast %parallel_loop3A_373 : vector<1x16xf32> to vector<16xf32>
        %parallel_loop3A_375 = arith.constant 0 : i32
        %parallel_loop3A_376 = arith.constant 0 : i32
        %parallel_loop3A_377 = tpu.memref_slice %arg11[%parallel_loop3A_255, %parallel_loop3A_375, %parallel_loop3A_376] : memref<4x80x128xf32, #tpu.memory_space<vmem>> -> memref<1x80x128xf32, #tpu.memory_space<vmem>>
        %parallel_loop3A_378 = tpu.memref_squeeze %parallel_loop3A_377 : memref<1x80x128xf32, #tpu.memory_space<vmem>> -> memref<80x128xf32, #tpu.memory_space<vmem>>
        %parallel_loop3A_379 = arith.index_cast %parallel_loop3A_257 : i32 to index
        %parallel_loop3A_380 = arith.constant 48 : index
        %parallel_loop3A_381 = tpu.vector_load %parallel_loop3A_378[%parallel_loop3A_379, %parallel_loop3A_380] {strides = array<i32>} : memref<80x128xf32, #tpu.memory_space<vmem>>, vector<1x16xf32>,
        %parallel_loop3A_382 = vector.shape_cast %parallel_loop3A_381 : vector<1x16xf32> to vector<16xf32>
        %parallel_loop3A_383 = arith.mulf %parallel_loop3A_374, %parallel_loop3A_382 : vector<16xf32>
        %parallel_loop3A_384 = arith.constant 0 : i32
        %parallel_loop3A_385 = arith.constant 0 : i32
        %parallel_loop3A_386 = tpu.memref_slice %arg10[%parallel_loop3A_254, %parallel_loop3A_384, %parallel_loop3A_385] : memref<4x80x128xf32, #tpu.memory_space<vmem>> -> memref<1x80x128xf32, #tpu.memory_space<vmem>>
        %parallel_loop3A_387 = tpu.memref_squeeze %parallel_loop3A_386 : memref<1x80x128xf32, #tpu.memory_space<vmem>> -> memref<80x128xf32, #tpu.memory_space<vmem>>
        %parallel_loop3A_388 = arith.index_cast %parallel_loop3A_257 : i32 to index
        %parallel_loop3A_389 = arith.constant 64 : index
        %parallel_loop3A_390 = tpu.vector_load %parallel_loop3A_387[%parallel_loop3A_388, %parallel_loop3A_389] {strides = array<i32>} : memref<80x128xf32, #tpu.memory_space<vmem>>, vector<1x16xf32>,
        %parallel_loop3A_391 = vector.shape_cast %parallel_loop3A_390 : vector<1x16xf32> to vector<16xf32>
        %parallel_loop3A_392 = arith.constant 0 : i32
        %parallel_loop3A_393 = arith.constant 0 : i32
        %parallel_loop3A_394 = tpu.memref_slice %arg11[%parallel_loop3A_255, %parallel_loop3A_392, %parallel_loop3A_393] : memref<4x80x128xf32, #tpu.memory_space<vmem>> -> memref<1x80x128xf32, #tpu.memory_space<vmem>>
        %parallel_loop3A_395 = tpu.memref_squeeze %parallel_loop3A_394 : memref<1x80x128xf32, #tpu.memory_space<vmem>> -> memref<80x128xf32, #tpu.memory_space<vmem>>
        %parallel_loop3A_396 = arith.index_cast %parallel_loop3A_257 : i32 to index
        %parallel_loop3A_397 = arith.constant 64 : index
        %parallel_loop3A_398 = tpu.vector_load %parallel_loop3A_395[%parallel_loop3A_396, %parallel_loop3A_397] {strides = array<i32>} : memref<80x128xf32, #tpu.memory_space<vmem>>, vector<1x16xf32>,
        %parallel_loop3A_399 = vector.shape_cast %parallel_loop3A_398 : vector<1x16xf32> to vector<16xf32>
        %parallel_loop3A_400 = arith.mulf %parallel_loop3A_391, %parallel_loop3A_399 : vector<16xf32>
        %parallel_loop3A_401 = arith.constant 0 : i32
        %parallel_loop3A_402 = arith.constant 0 : i32
        %parallel_loop3A_403 = tpu.memref_slice %arg10[%parallel_loop3A_254, %parallel_loop3A_401, %parallel_loop3A_402] : memref<4x80x128xf32, #tpu.memory_space<vmem>> -> memref<1x80x128xf32, #tpu.memory_space<vmem>>
        %parallel_loop3A_404 = tpu.memref_squeeze %parallel_loop3A_403 : memref<1x80x128xf32, #tpu.memory_space<vmem>> -> memref<80x128xf32, #tpu.memory_space<vmem>>
        %parallel_loop3A_405 = arith.index_cast %parallel_loop3A_257 : i32 to index
        %parallel_loop3A_406 = arith.constant 80 : index
        %parallel_loop3A_407 = tpu.vector_load %parallel_loop3A_404[%parallel_loop3A_405, %parallel_loop3A_406] {strides = array<i32>} : memref<80x128xf32, #tpu.memory_space<vmem>>, vector<1x16xf32>,
        %parallel_loop3A_408 = vector.shape_cast %parallel_loop3A_407 : vector<1x16xf32> to vector<16xf32>
        %parallel_loop3A_409 = arith.constant 0 : i32
        %parallel_loop3A_410 = arith.constant 0 : i32
        %parallel_loop3A_411 = tpu.memref_slice %arg11[%parallel_loop3A_255, %parallel_loop3A_409, %parallel_loop3A_410] : memref<4x80x128xf32, #tpu.memory_space<vmem>> -> memref<1x80x128xf32, #tpu.memory_space<vmem>>
        %parallel_loop3A_412 = tpu.memref_squeeze %parallel_loop3A_411 : memref<1x80x128xf32, #tpu.memory_space<vmem>> -> memref<80x128xf32, #tpu.memory_space<vmem>>
        %parallel_loop3A_413 = arith.index_cast %parallel_loop3A_257 : i32 to index
        %parallel_loop3A_414 = arith.constant 80 : index
        %parallel_loop3A_415 = tpu.vector_load %parallel_loop3A_412[%parallel_loop3A_413, %parallel_loop3A_414] {strides = array<i32>} : memref<80x128xf32, #tpu.memory_space<vmem>>, vector<1x16xf32>,
        %parallel_loop3A_416 = vector.shape_cast %parallel_loop3A_415 : vector<1x16xf32> to vector<16xf32>
        %parallel_loop3A_417 = arith.mulf %parallel_loop3A_408, %parallel_loop3A_416 : vector<16xf32>
        %parallel_loop3A_418 = arith.constant 0 : i32
        %parallel_loop3A_419 = arith.constant 0 : i32
        %parallel_loop3A_420 = tpu.memref_slice %arg10[%parallel_loop3A_254, %parallel_loop3A_418, %parallel_loop3A_419] : memref<4x80x128xf32, #tpu.memory_space<vmem>> -> memref<1x80x128xf32, #tpu.memory_space<vmem>>
        %parallel_loop3A_421 = tpu.memref_squeeze %parallel_loop3A_420 : memref<1x80x128xf32, #tpu.memory_space<vmem>> -> memref<80x128xf32, #tpu.memory_space<vmem>>
        %parallel_loop3A_422 = arith.index_cast %parallel_loop3A_257 : i32 to index
        %parallel_loop3A_423 = arith.constant 96 : index
        %parallel_loop3A_424 = tpu.vector_load %parallel_loop3A_421[%parallel_loop3A_422, %parallel_loop3A_423] {strides = array<i32>} : memref<80x128xf32, #tpu.memory_space<vmem>>, vector<1x16xf32>,
        %parallel_loop3A_425 = vector.shape_cast %parallel_loop3A_424 : vector<1x16xf32> to vector<16xf32>
        %parallel_loop3A_426 = arith.constant 0 : i32
        %parallel_loop3A_427 = arith.constant 0 : i32
        %parallel_loop3A_428 = tpu.memref_slice %arg11[%parallel_loop3A_255, %parallel_loop3A_426, %parallel_loop3A_427] : memref<4x80x128xf32, #tpu.memory_space<vmem>> -> memref<1x80x128xf32, #tpu.memory_space<vmem>>
        %parallel_loop3A_429 = tpu.memref_squeeze %parallel_loop3A_428 : memref<1x80x128xf32, #tpu.memory_space<vmem>> -> memref<80x128xf32, #tpu.memory_space<vmem>>
        %parallel_loop3A_430 = arith.index_cast %parallel_loop3A_257 : i32 to index
        %parallel_loop3A_431 = arith.constant 96 : index
        %parallel_loop3A_432 = tpu.vector_load %parallel_loop3A_429[%parallel_loop3A_430, %parallel_loop3A_431] {strides = array<i32>} : memref<80x128xf32, #tpu.memory_space<vmem>>, vector<1x16xf32>,
        %parallel_loop3A_433 = vector.shape_cast %parallel_loop3A_432 : vector<1x16xf32> to vector<16xf32>
        %parallel_loop3A_434 = arith.mulf %parallel_loop3A_425, %parallel_loop3A_433 : vector<16xf32>
        %parallel_loop3A_435 = arith.constant 0 : i32
        %parallel_loop3A_436 = arith.constant 0 : i32
        %parallel_loop3A_437 = tpu.memref_slice %arg10[%parallel_loop3A_254, %parallel_loop3A_435, %parallel_loop3A_436] : memref<4x80x128xf32, #tpu.memory_space<vmem>> -> memref<1x80x128xf32, #tpu.memory_space<vmem>>
        %parallel_loop3A_438 = tpu.memref_squeeze %parallel_loop3A_437 : memref<1x80x128xf32, #tpu.memory_space<vmem>> -> memref<80x128xf32, #tpu.memory_space<vmem>>
        %parallel_loop3A_439 = arith.index_cast %parallel_loop3A_257 : i32 to index
        %parallel_loop3A_440 = arith.constant 112 : index
        %parallel_loop3A_441 = tpu.vector_load %parallel_loop3A_438[%parallel_loop3A_439, %parallel_loop3A_440] {strides = array<i32>} : memref<80x128xf32, #tpu.memory_space<vmem>>, vector<1x16xf32>,
        %parallel_loop3A_442 = vector.shape_cast %parallel_loop3A_441 : vector<1x16xf32> to vector<16xf32>
        %parallel_loop3A_443 = arith.constant 0 : i32
        %parallel_loop3A_444 = arith.constant 0 : i32
        %parallel_loop3A_445 = tpu.memref_slice %arg11[%parallel_loop3A_255, %parallel_loop3A_443, %parallel_loop3A_444] : memref<4x80x128xf32, #tpu.memory_space<vmem>> -> memref<1x80x128xf32, #tpu.memory_space<vmem>>
        %parallel_loop3A_446 = tpu.memref_squeeze %parallel_loop3A_445 : memref<1x80x128xf32, #tpu.memory_space<vmem>> -> memref<80x128xf32, #tpu.memory_space<vmem>>
        %parallel_loop3A_447 = arith.index_cast %parallel_loop3A_257 : i32 to index
        %parallel_loop3A_448 = arith.constant 112 : index
        %parallel_loop3A_449 = tpu.vector_load %parallel_loop3A_446[%parallel_loop3A_447, %parallel_loop3A_448] {strides = array<i32>} : memref<80x128xf32, #tpu.memory_space<vmem>>, vector<1x16xf32>,
        %parallel_loop3A_450 = vector.shape_cast %parallel_loop3A_449 : vector<1x16xf32> to vector<16xf32>
        %parallel_loop3A_451 = arith.mulf %parallel_loop3A_442, %parallel_loop3A_450 : vector<16xf32>
        %parallel_loop3A_452 = arith.addf %parallel_loop3A_332, %parallel_loop3A_349 : vector<16xf32>
        %parallel_loop3A_453 = arith.addf %parallel_loop3A_366, %parallel_loop3A_383 : vector<16xf32>
        %parallel_loop3A_454 = arith.addf %parallel_loop3A_400, %parallel_loop3A_417 : vector<16xf32>
        %parallel_loop3A_455 = arith.addf %parallel_loop3A_434, %parallel_loop3A_451 : vector<16xf32>
        %parallel_loop3A_456 = arith.addf %parallel_loop3A_452, %parallel_loop3A_453 : vector<16xf32>
        %parallel_loop3A_457 = arith.addf %parallel_loop3A_454, %parallel_loop3A_455 : vector<16xf32>
        %parallel_loop3A_458 = arith.addf %parallel_loop3A_456, %parallel_loop3A_457 : vector<16xf32>
        %parallel_loop3A_459 = arith.mulf %parallel_loop3A_458, %parallel_loop3A_315 : vector<16xf32>
        %parallel_loop3A_460 = arith.addf %parallel_loop3A_258, %parallel_loop3A_459 : vector<16xf32>
        scf.yield %parallel_loop3A_460 : vector<16xf32>
      } {sc.loop_unroll_factor = 4 : i64, sc.parallel_access}
      scf.yield %parallel_loop3A_256 : vector<16xf32>
    }
    %scan3A_67 = arith.constant 31 : i32
    %dma_wait3A = arith.constant 0 : i32
    %dma_wait3A_68 = arith.constant 0 : i32
    %dma_wait3A_69 = arith.constant 0 : i32
    %dma_wait3A_70 = tpu.memref_slice %arg10[%dma_wait3A, %dma_wait3A_68, %dma_wait3A_69] : memref<4x80x128xf32, #tpu.memory_space<vmem>> -> memref<1x80x128xf32, #tpu.memory_space<vmem>>
    %dma_wait3A_71 = tpu.memref_squeeze %dma_wait3A_70 : memref<1x80x128xf32, #tpu.memory_space<vmem>> -> memref<80x128xf32, #tpu.memory_space<vmem>>
    %dma_wait3A_72 = arith.constant 0 : i32
    %dma_wait3A_73 = tpu.memref_slice %arg7[%dma_wait3A_72] : memref<10000xi32, #tpu.memory_space<vmem>> -> memref<80xi32, #tpu.memory_space<vmem>>
    %dma_wait3A_74 = arith.constant 0 : i32
    %dma_wait3A_75 = arith.constant 0 : i32
    %dma_wait3A_76 = tpu.memref_slice %arg2[%dma_wait3A_74, %dma_wait3A_75] : memref<10000x128xf32, #tpu.memory_space<hbm>> -> memref<10000x128xf32, #tpu.memory_space<hbm>>
    tpu.wait_indirect_dma semaphore(%arg13 : memref<!tpu.dma_semaphore, #tpu.memory_space<semaphore_mem>>) src(%dma_wait3A_76 : memref<10000x128xf32, #tpu.memory_space<hbm>>) dst(%dma_wait3A_71 : memref<80x128xf32, #tpu.memory_space<vmem>>)
    %dma_wait3A_77 = arith.constant 0 : i32
    %dma_wait3A_78 = arith.constant 0 : i32
    %dma_wait3A_79 = arith.constant 0 : i32
    %dma_wait3A_80 = tpu.memref_slice %arg11[%dma_wait3A_77, %dma_wait3A_78, %dma_wait3A_79] : memref<4x80x128xf32, #tpu.memory_space<vmem>> -> memref<1x80x128xf32, #tpu.memory_space<vmem>>
    %dma_wait3A_81 = tpu.memref_squeeze %dma_wait3A_80 : memref<1x80x128xf32, #tpu.memory_space<vmem>> -> memref<80x128xf32, #tpu.memory_space<vmem>>
    %dma_wait3A_82 = arith.constant 0 : i32
    %dma_wait3A_83 = tpu.memref_slice %arg8[%dma_wait3A_82] : memref<10000xi32, #tpu.memory_space<vmem>> -> memref<80xi32, #tpu.memory_space<vmem>>
    %dma_wait3A_84 = arith.constant 0 : i32
    %dma_wait3A_85 = arith.constant 0 : i32
    %dma_wait3A_86 = tpu.memref_slice %arg2[%dma_wait3A_84, %dma_wait3A_85] : memref<10000x128xf32, #tpu.memory_space<hbm>> -> memref<10000x128xf32, #tpu.memory_space<hbm>>
    tpu.wait_indirect_dma semaphore(%arg13 : memref<!tpu.dma_semaphore, #tpu.memory_space<semaphore_mem>>) src(%dma_wait3A_86 : memref<10000x128xf32, #tpu.memory_space<hbm>>) dst(%dma_wait3A_81 : memref<80x128xf32, #tpu.memory_space<vmem>>)
    %parallel_loop3A = arith.constant 0 : i32
    %parallel_loop3A_87 = arith.constant 80 : i32
    %parallel_loop3A_88 = arith.constant 1 : i32
    %parallel_loop3A_89 = arith.constant 0 : i32
    %parallel_loop3A_90 = arith.constant 0 : i32
    %parallel_loop3A_91 = scf.for %parallel_loop3A_95 = %parallel_loop3A to %parallel_loop3A_87 step %parallel_loop3A_88 iter_args(%parallel_loop3A_96 = %scan3A_66) -> (vector<16xf32>)  : i32 {
      %parallel_loop3A_97 = arith.constant 16 : i32
      %parallel_loop3A_98 = arith.divsi %parallel_loop3A_95, %parallel_loop3A_97 : i32
      %parallel_loop3A_99 = arith.constant 0 : i32
      %parallel_loop3A_100 = arith.cmpi sgt, %parallel_loop3A_95, %parallel_loop3A_99 : i32
      %parallel_loop3A_101 = arith.extui %parallel_loop3A_100 : i1 to i32
      %parallel_loop3A_102 = arith.constant 0 : i32
      %parallel_loop3A_103 = arith.cmpi slt, %parallel_loop3A_95, %parallel_loop3A_102 : i32
      %parallel_loop3A_104 = arith.extui %parallel_loop3A_103 : i1 to i32
      %parallel_loop3A_105 = arith.subi %parallel_loop3A_101, %parallel_loop3A_104 : i32
      %parallel_loop3A_106 = arith.constant 0 : i32
      %parallel_loop3A_107 = arith.cmpi sgt, %parallel_loop3A_97, %parallel_loop3A_106 : i32
      %parallel_loop3A_108 = arith.extui %parallel_loop3A_107 : i1 to i32
      %parallel_loop3A_109 = arith.constant 0 : i32
      %parallel_loop3A_110 = arith.cmpi slt, %parallel_loop3A_97, %parallel_loop3A_109 : i32
      %parallel_loop3A_111 = arith.extui %parallel_loop3A_110 : i1 to i32
      %parallel_loop3A_112 = arith.subi %parallel_loop3A_108, %parallel_loop3A_111 : i32
      %parallel_loop3A_113 = arith.cmpi ne, %parallel_loop3A_105, %parallel_loop3A_112 : i32
      %parallel_loop3A_114 = arith.remsi %parallel_loop3A_95, %parallel_loop3A_97 : i32
      %parallel_loop3A_115 = arith.constant 0 : i32
      %parallel_loop3A_116 = arith.cmpi ne, %parallel_loop3A_114, %parallel_loop3A_115 : i32
      %parallel_loop3A_117 = arith.andi %parallel_loop3A_113, %parallel_loop3A_116 : i1
      %parallel_loop3A_118 = arith.constant 1 : i32
      %parallel_loop3A_119 = arith.subi %parallel_loop3A_98, %parallel_loop3A_118 : i32
      %parallel_loop3A_120 = arith.select %parallel_loop3A_117, %parallel_loop3A_119, %parallel_loop3A_98 : i32
      %parallel_loop3A_121 = arith.constant 16 : i32
      %parallel_loop3A_122 = arith.muli %parallel_loop3A_120, %parallel_loop3A_121 : i32
      %parallel_loop3A_123 = arith.constant 9920 : i32
      %parallel_loop3A_124 = arith.addi %parallel_loop3A_123, %parallel_loop3A_122 : i32
      %parallel_loop3A_125 = arith.index_cast %parallel_loop3A_124 : i32 to index
      %parallel_loop3A_126 = tpu.vector_load %arg9[%parallel_loop3A_125] {strides = array<i32>} : memref<10000xf32, #tpu.memory_space<vmem>>, vector<16xf32>,
      %parallel_loop3A_127 = vector.shape_cast %parallel_loop3A_126 : vector<16xf32> to vector<16xf32>
      %parallel_loop3A_128 = arith.constant 16 : i32
      %parallel_loop3A_129 = arith.constant 0 : i32
      %parallel_loop3A_130 = arith.cmpi eq, %parallel_loop3A_128, %parallel_loop3A_129 : i32
      %parallel_loop3A_131 = arith.constant 1 : i32
      %parallel_loop3A_132 = arith.select %parallel_loop3A_130, %parallel_loop3A_131, %parallel_loop3A_128 : i32
      %parallel_loop3A_133 = arith.remsi %parallel_loop3A_95, %parallel_loop3A_132 : i32
      %parallel_loop3A_134 = arith.constant 0 : i32
      %parallel_loop3A_135 = arith.cmpi ne, %parallel_loop3A_133, %parallel_loop3A_134 : i32
      %parallel_loop3A_136 = arith.constant 0 : i32
      %parallel_loop3A_137 = arith.cmpi slt, %parallel_loop3A_133, %parallel_loop3A_136 : i32
      %parallel_loop3A_138 = arith.constant 0 : i32
      %parallel_loop3A_139 = arith.cmpi slt, %parallel_loop3A_132, %parallel_loop3A_138 : i32
      %parallel_loop3A_140 = arith.xori %parallel_loop3A_137, %parallel_loop3A_139 : i1
      %parallel_loop3A_141 = arith.andi %parallel_loop3A_140, %parallel_loop3A_135 : i1
      %parallel_loop3A_142 = arith.addi %parallel_loop3A_133, %parallel_loop3A_132 : i32
      %parallel_loop3A_143 = arith.select %parallel_loop3A_141, %parallel_loop3A_142, %parallel_loop3A_133 : i32
      %parallel_loop3A_144 = vector.broadcast %parallel_loop3A_143 : i32 to vector<16xi32>
      %parallel_loop3A_145 = arith.constant 0 : i32
      %parallel_loop3A_146 = vector.broadcast %parallel_loop3A_145 : i32 to vector<16xi32>
      %parallel_loop3A_147 = arith.cmpi slt, %parallel_loop3A_144, %parallel_loop3A_146 : vector<16xi32>
      %parallel_loop3A_148 = arith.constant 16 : i32
      %parallel_loop3A_149 = vector.broadcast %parallel_loop3A_148 : i32 to vector<16xi32>
      %parallel_loop3A_150 = arith.addi %parallel_loop3A_144, %parallel_loop3A_149 : vector<16xi32>
      %parallel_loop3A_151 = arith.select %parallel_loop3A_147, %parallel_loop3A_150, %parallel_loop3A_144 : vector<16xi1>, vector<16xi32>
      %parallel_loop3A_152 = vector.shape_cast %parallel_loop3A_151 : vector<16xi32> to vector<16x1xi32>
      %parallel_loop3A_153 = vector.shape_cast %parallel_loop3A_152 : vector<16x1xi32> to vector<16xi32>
      %parallel_loop3A_154 = tpu.dynamic_gather %parallel_loop3A_127[%parallel_loop3A_153] in [0] : vector<16xf32>, vector<16xi32> -> vector<16xf32>
      %parallel_loop3A_155 = arith.constant 0 : i32
      %parallel_loop3A_156 = arith.constant 0 : i32
      %parallel_loop3A_157 = tpu.memref_slice %arg10[%parallel_loop3A_89, %parallel_loop3A_155, %parallel_loop3A_156] : memref<4x80x128xf32, #tpu.memory_space<vmem>> -> memref<1x80x128xf32, #tpu.memory_space<vmem>>
      %parallel_loop3A_158 = tpu.memref_squeeze %parallel_loop3A_157 : memref<1x80x128xf32, #tpu.memory_space<vmem>> -> memref<80x128xf32, #tpu.memory_space<vmem>>
      %parallel_loop3A_159 = arith.index_cast %parallel_loop3A_95 : i32 to index
      %parallel_loop3A_160 = arith.constant 0 : index
      %parallel_loop3A_161 = tpu.vector_load %parallel_loop3A_158[%parallel_loop3A_159, %parallel_loop3A_160] {strides = array<i32>} : memref<80x128xf32, #tpu.memory_space<vmem>>, vector<1x16xf32>,
      %parallel_loop3A_162 = vector.shape_cast %parallel_loop3A_161 : vector<1x16xf32> to vector<16xf32>
      %parallel_loop3A_163 = arith.constant 0 : i32
      %parallel_loop3A_164 = arith.constant 0 : i32
      %parallel_loop3A_165 = tpu.memref_slice %arg11[%parallel_loop3A_90, %parallel_loop3A_163, %parallel_loop3A_164] : memref<4x80x128xf32, #tpu.memory_space<vmem>> -> memref<1x80x128xf32, #tpu.memory_space<vmem>>
      %parallel_loop3A_166 = tpu.memref_squeeze %parallel_loop3A_165 : memref<1x80x128xf32, #tpu.memory_space<vmem>> -> memref<80x128xf32, #tpu.memory_space<vmem>>
      %parallel_loop3A_167 = arith.index_cast %parallel_loop3A_95 : i32 to index
      %parallel_loop3A_168 = arith.constant 0 : index
      %parallel_loop3A_169 = tpu.vector_load %parallel_loop3A_166[%parallel_loop3A_167, %parallel_loop3A_168] {strides = array<i32>} : memref<80x128xf32, #tpu.memory_space<vmem>>, vector<1x16xf32>,
      %parallel_loop3A_170 = vector.shape_cast %parallel_loop3A_169 : vector<1x16xf32> to vector<16xf32>
      %parallel_loop3A_171 = arith.mulf %parallel_loop3A_162, %parallel_loop3A_170 : vector<16xf32>
      %parallel_loop3A_172 = arith.constant 0 : i32
      %parallel_loop3A_173 = arith.constant 0 : i32
      %parallel_loop3A_174 = tpu.memref_slice %arg10[%parallel_loop3A_89, %parallel_loop3A_172, %parallel_loop3A_173] : memref<4x80x128xf32, #tpu.memory_space<vmem>> -> memref<1x80x128xf32, #tpu.memory_space<vmem>>
      %parallel_loop3A_175 = tpu.memref_squeeze %parallel_loop3A_174 : memref<1x80x128xf32, #tpu.memory_space<vmem>> -> memref<80x128xf32, #tpu.memory_space<vmem>>
      %parallel_loop3A_176 = arith.index_cast %parallel_loop3A_95 : i32 to index
      %parallel_loop3A_177 = arith.constant 16 : index
      %parallel_loop3A_178 = tpu.vector_load %parallel_loop3A_175[%parallel_loop3A_176, %parallel_loop3A_177] {strides = array<i32>} : memref<80x128xf32, #tpu.memory_space<vmem>>, vector<1x16xf32>,
      %parallel_loop3A_179 = vector.shape_cast %parallel_loop3A_178 : vector<1x16xf32> to vector<16xf32>
      %parallel_loop3A_180 = arith.constant 0 : i32
      %parallel_loop3A_181 = arith.constant 0 : i32
      %parallel_loop3A_182 = tpu.memref_slice %arg11[%parallel_loop3A_90, %parallel_loop3A_180, %parallel_loop3A_181] : memref<4x80x128xf32, #tpu.memory_space<vmem>> -> memref<1x80x128xf32, #tpu.memory_space<vmem>>
      %parallel_loop3A_183 = tpu.memref_squeeze %parallel_loop3A_182 : memref<1x80x128xf32, #tpu.memory_space<vmem>> -> memref<80x128xf32, #tpu.memory_space<vmem>>
      %parallel_loop3A_184 = arith.index_cast %parallel_loop3A_95 : i32 to index
      %parallel_loop3A_185 = arith.constant 16 : index
      %parallel_loop3A_186 = tpu.vector_load %parallel_loop3A_183[%parallel_loop3A_184, %parallel_loop3A_185] {strides = array<i32>} : memref<80x128xf32, #tpu.memory_space<vmem>>, vector<1x16xf32>,
      %parallel_loop3A_187 = vector.shape_cast %parallel_loop3A_186 : vector<1x16xf32> to vector<16xf32>
      %parallel_loop3A_188 = arith.mulf %parallel_loop3A_179, %parallel_loop3A_187 : vector<16xf32>
      %parallel_loop3A_189 = arith.constant 0 : i32
      %parallel_loop3A_190 = arith.constant 0 : i32
      %parallel_loop3A_191 = tpu.memref_slice %arg10[%parallel_loop3A_89, %parallel_loop3A_189, %parallel_loop3A_190] : memref<4x80x128xf32, #tpu.memory_space<vmem>> -> memref<1x80x128xf32, #tpu.memory_space<vmem>>
      %parallel_loop3A_192 = tpu.memref_squeeze %parallel_loop3A_191 : memref<1x80x128xf32, #tpu.memory_space<vmem>> -> memref<80x128xf32, #tpu.memory_space<vmem>>
      %parallel_loop3A_193 = arith.index_cast %parallel_loop3A_95 : i32 to index
      %parallel_loop3A_194 = arith.constant 32 : index
      %parallel_loop3A_195 = tpu.vector_load %parallel_loop3A_192[%parallel_loop3A_193, %parallel_loop3A_194] {strides = array<i32>} : memref<80x128xf32, #tpu.memory_space<vmem>>, vector<1x16xf32>,
      %parallel_loop3A_196 = vector.shape_cast %parallel_loop3A_195 : vector<1x16xf32> to vector<16xf32>
      %parallel_loop3A_197 = arith.constant 0 : i32
      %parallel_loop3A_198 = arith.constant 0 : i32
      %parallel_loop3A_199 = tpu.memref_slice %arg11[%parallel_loop3A_90, %parallel_loop3A_197, %parallel_loop3A_198] : memref<4x80x128xf32, #tpu.memory_space<vmem>> -> memref<1x80x128xf32, #tpu.memory_space<vmem>>
      %parallel_loop3A_200 = tpu.memref_squeeze %parallel_loop3A_199 : memref<1x80x128xf32, #tpu.memory_space<vmem>> -> memref<80x128xf32, #tpu.memory_space<vmem>>
      %parallel_loop3A_201 = arith.index_cast %parallel_loop3A_95 : i32 to index
      %parallel_loop3A_202 = arith.constant 32 : index
      %parallel_loop3A_203 = tpu.vector_load %parallel_loop3A_200[%parallel_loop3A_201, %parallel_loop3A_202] {strides = array<i32>} : memref<80x128xf32, #tpu.memory_space<vmem>>, vector<1x16xf32>,
      %parallel_loop3A_204 = vector.shape_cast %parallel_loop3A_203 : vector<1x16xf32> to vector<16xf32>
      %parallel_loop3A_205 = arith.mulf %parallel_loop3A_196, %parallel_loop3A_204 : vector<16xf32>
      %parallel_loop3A_206 = arith.constant 0 : i32
      %parallel_loop3A_207 = arith.constant 0 : i32
      %parallel_loop3A_208 = tpu.memref_slice %arg10[%parallel_loop3A_89, %parallel_loop3A_206, %parallel_loop3A_207] : memref<4x80x128xf32, #tpu.memory_space<vmem>> -> memref<1x80x128xf32, #tpu.memory_space<vmem>>
      %parallel_loop3A_209 = tpu.memref_squeeze %parallel_loop3A_208 : memref<1x80x128xf32, #tpu.memory_space<vmem>> -> memref<80x128xf32, #tpu.memory_space<vmem>>
      %parallel_loop3A_210 = arith.index_cast %parallel_loop3A_95 : i32 to index
      %parallel_loop3A_211 = arith.constant 48 : index
      %parallel_loop3A_212 = tpu.vector_load %parallel_loop3A_209[%parallel_loop3A_210, %parallel_loop3A_211] {strides = array<i32>} : memref<80x128xf32, #tpu.memory_space<vmem>>, vector<1x16xf32>,
      %parallel_loop3A_213 = vector.shape_cast %parallel_loop3A_212 : vector<1x16xf32> to vector<16xf32>
      %parallel_loop3A_214 = arith.constant 0 : i32
      %parallel_loop3A_215 = arith.constant 0 : i32
      %parallel_loop3A_216 = tpu.memref_slice %arg11[%parallel_loop3A_90, %parallel_loop3A_214, %parallel_loop3A_215] : memref<4x80x128xf32, #tpu.memory_space<vmem>> -> memref<1x80x128xf32, #tpu.memory_space<vmem>>
      %parallel_loop3A_217 = tpu.memref_squeeze %parallel_loop3A_216 : memref<1x80x128xf32, #tpu.memory_space<vmem>> -> memref<80x128xf32, #tpu.memory_space<vmem>>
      %parallel_loop3A_218 = arith.index_cast %parallel_loop3A_95 : i32 to index
      %parallel_loop3A_219 = arith.constant 48 : index
      %parallel_loop3A_220 = tpu.vector_load %parallel_loop3A_217[%parallel_loop3A_218, %parallel_loop3A_219] {strides = array<i32>} : memref<80x128xf32, #tpu.memory_space<vmem>>, vector<1x16xf32>,
      %parallel_loop3A_221 = vector.shape_cast %parallel_loop3A_220 : vector<1x16xf32> to vector<16xf32>
      %parallel_loop3A_222 = arith.mulf %parallel_loop3A_213, %parallel_loop3A_221 : vector<16xf32>
      %parallel_loop3A_223 = arith.constant 0 : i32
      %parallel_loop3A_224 = arith.constant 0 : i32
      %parallel_loop3A_225 = tpu.memref_slice %arg10[%parallel_loop3A_89, %parallel_loop3A_223, %parallel_loop3A_224] : memref<4x80x128xf32, #tpu.memory_space<vmem>> -> memref<1x80x128xf32, #tpu.memory_space<vmem>>
      %parallel_loop3A_226 = tpu.memref_squeeze %parallel_loop3A_225 : memref<1x80x128xf32, #tpu.memory_space<vmem>> -> memref<80x128xf32, #tpu.memory_space<vmem>>
      %parallel_loop3A_227 = arith.index_cast %parallel_loop3A_95 : i32 to index
      %parallel_loop3A_228 = arith.constant 64 : index
      %parallel_loop3A_229 = tpu.vector_load %parallel_loop3A_226[%parallel_loop3A_227, %parallel_loop3A_228] {strides = array<i32>} : memref<80x128xf32, #tpu.memory_space<vmem>>, vector<1x16xf32>,
      %parallel_loop3A_230 = vector.shape_cast %parallel_loop3A_229 : vector<1x16xf32> to vector<16xf32>
      %parallel_loop3A_231 = arith.constant 0 : i32
      %parallel_loop3A_232 = arith.constant 0 : i32
      %parallel_loop3A_233 = tpu.memref_slice %arg11[%parallel_loop3A_90, %parallel_loop3A_231, %parallel_loop3A_232] : memref<4x80x128xf32, #tpu.memory_space<vmem>> -> memref<1x80x128xf32, #tpu.memory_space<vmem>>
      %parallel_loop3A_234 = tpu.memref_squeeze %parallel_loop3A_233 : memref<1x80x128xf32, #tpu.memory_space<vmem>> -> memref<80x128xf32, #tpu.memory_space<vmem>>
      %parallel_loop3A_235 = arith.index_cast %parallel_loop3A_95 : i32 to index
      %parallel_loop3A_236 = arith.constant 64 : index
      %parallel_loop3A_237 = tpu.vector_load %parallel_loop3A_234[%parallel_loop3A_235, %parallel_loop3A_236] {strides = array<i32>} : memref<80x128xf32, #tpu.memory_space<vmem>>, vector<1x16xf32>,
      %parallel_loop3A_238 = vector.shape_cast %parallel_loop3A_237 : vector<1x16xf32> to vector<16xf32>
      %parallel_loop3A_239 = arith.mulf %parallel_loop3A_230, %parallel_loop3A_238 : vector<16xf32>
      %parallel_loop3A_240 = arith.constant 0 : i32
      %parallel_loop3A_241 = arith.constant 0 : i32
      %parallel_loop3A_242 = tpu.memref_slice %arg10[%parallel_loop3A_89, %parallel_loop3A_240, %parallel_loop3A_241] : memref<4x80x128xf32, #tpu.memory_space<vmem>> -> memref<1x80x128xf32, #tpu.memory_space<vmem>>
      %parallel_loop3A_243 = tpu.memref_squeeze %parallel_loop3A_242 : memref<1x80x128xf32, #tpu.memory_space<vmem>> -> memref<80x128xf32, #tpu.memory_space<vmem>>
      %parallel_loop3A_244 = arith.index_cast %parallel_loop3A_95 : i32 to index
      %parallel_loop3A_245 = arith.constant 80 : index
      %parallel_loop3A_246 = tpu.vector_load %parallel_loop3A_243[%parallel_loop3A_244, %parallel_loop3A_245] {strides = array<i32>} : memref<80x128xf32, #tpu.memory_space<vmem>>, vector<1x16xf32>,
      %parallel_loop3A_247 = vector.shape_cast %parallel_loop3A_246 : vector<1x16xf32> to vector<16xf32>
      %parallel_loop3A_248 = arith.constant 0 : i32
      %parallel_loop3A_249 = arith.constant 0 : i32
      %parallel_loop3A_250 = tpu.memref_slice %arg11[%parallel_loop3A_90, %parallel_loop3A_248, %parallel_loop3A_249] : memref<4x80x128xf32, #tpu.memory_space<vmem>> -> memref<1x80x128xf32, #tpu.memory_space<vmem>>
      %parallel_loop3A_251 = tpu.memref_squeeze %parallel_loop3A_250 : memref<1x80x128xf32, #tpu.memory_space<vmem>> -> memref<80x128xf32, #tpu.memory_space<vmem>>
      %parallel_loop3A_252 = arith.index_cast %parallel_loop3A_95 : i32 to index
      %parallel_loop3A_253 = arith.constant 80 : index
      %parallel_loop3A_254 = tpu.vector_load %parallel_loop3A_251[%parallel_loop3A_252, %parallel_loop3A_253] {strides = array<i32>} : memref<80x128xf32, #tpu.memory_space<vmem>>, vector<1x16xf32>,
      %parallel_loop3A_255 = vector.shape_cast %parallel_loop3A_254 : vector<1x16xf32> to vector<16xf32>
      %parallel_loop3A_256 = arith.mulf %parallel_loop3A_247, %parallel_loop3A_255 : vector<16xf32>
      %parallel_loop3A_257 = arith.constant 0 : i32
      %parallel_loop3A_258 = arith.constant 0 : i32
      %parallel_loop3A_259 = tpu.memref_slice %arg10[%parallel_loop3A_89, %parallel_loop3A_257, %parallel_loop3A_258] : memref<4x80x128xf32, #tpu.memory_space<vmem>> -> memref<1x80x128xf32, #tpu.memory_space<vmem>>
      %parallel_loop3A_260 = tpu.memref_squeeze %parallel_loop3A_259 : memref<1x80x128xf32, #tpu.memory_space<vmem>> -> memref<80x128xf32, #tpu.memory_space<vmem>>
      %parallel_loop3A_261 = arith.index_cast %parallel_loop3A_95 : i32 to index
      %parallel_loop3A_262 = arith.constant 96 : index
      %parallel_loop3A_263 = tpu.vector_load %parallel_loop3A_260[%parallel_loop3A_261, %parallel_loop3A_262] {strides = array<i32>} : memref<80x128xf32, #tpu.memory_space<vmem>>, vector<1x16xf32>,
      %parallel_loop3A_264 = vector.shape_cast %parallel_loop3A_263 : vector<1x16xf32> to vector<16xf32>
      %parallel_loop3A_265 = arith.constant 0 : i32
      %parallel_loop3A_266 = arith.constant 0 : i32
      %parallel_loop3A_267 = tpu.memref_slice %arg11[%parallel_loop3A_90, %parallel_loop3A_265, %parallel_loop3A_266] : memref<4x80x128xf32, #tpu.memory_space<vmem>> -> memref<1x80x128xf32, #tpu.memory_space<vmem>>
      %parallel_loop3A_268 = tpu.memref_squeeze %parallel_loop3A_267 : memref<1x80x128xf32, #tpu.memory_space<vmem>> -> memref<80x128xf32, #tpu.memory_space<vmem>>
      %parallel_loop3A_269 = arith.index_cast %parallel_loop3A_95 : i32 to index
      %parallel_loop3A_270 = arith.constant 96 : index
      %parallel_loop3A_271 = tpu.vector_load %parallel_loop3A_268[%parallel_loop3A_269, %parallel_loop3A_270] {strides = array<i32>} : memref<80x128xf32, #tpu.memory_space<vmem>>, vector<1x16xf32>,
      %parallel_loop3A_272 = vector.shape_cast %parallel_loop3A_271 : vector<1x16xf32> to vector<16xf32>
      %parallel_loop3A_273 = arith.mulf %parallel_loop3A_264, %parallel_loop3A_272 : vector<16xf32>
      %parallel_loop3A_274 = arith.constant 0 : i32
      %parallel_loop3A_275 = arith.constant 0 : i32
      %parallel_loop3A_276 = tpu.memref_slice %arg10[%parallel_loop3A_89, %parallel_loop3A_274, %parallel_loop3A_275] : memref<4x80x128xf32, #tpu.memory_space<vmem>> -> memref<1x80x128xf32, #tpu.memory_space<vmem>>
      %parallel_loop3A_277 = tpu.memref_squeeze %parallel_loop3A_276 : memref<1x80x128xf32, #tpu.memory_space<vmem>> -> memref<80x128xf32, #tpu.memory_space<vmem>>
      %parallel_loop3A_278 = arith.index_cast %parallel_loop3A_95 : i32 to index
      %parallel_loop3A_279 = arith.constant 112 : index
      %parallel_loop3A_280 = tpu.vector_load %parallel_loop3A_277[%parallel_loop3A_278, %parallel_loop3A_279] {strides = array<i32>} : memref<80x128xf32, #tpu.memory_space<vmem>>, vector<1x16xf32>,
      %parallel_loop3A_281 = vector.shape_cast %parallel_loop3A_280 : vector<1x16xf32> to vector<16xf32>
      %parallel_loop3A_282 = arith.constant 0 : i32
      %parallel_loop3A_283 = arith.constant 0 : i32
      %parallel_loop3A_284 = tpu.memref_slice %arg11[%parallel_loop3A_90, %parallel_loop3A_282, %parallel_loop3A_283] : memref<4x80x128xf32, #tpu.memory_space<vmem>> -> memref<1x80x128xf32, #tpu.memory_space<vmem>>
      %parallel_loop3A_285 = tpu.memref_squeeze %parallel_loop3A_284 : memref<1x80x128xf32, #tpu.memory_space<vmem>> -> memref<80x128xf32, #tpu.memory_space<vmem>>
      %parallel_loop3A_286 = arith.index_cast %parallel_loop3A_95 : i32 to index
      %parallel_loop3A_287 = arith.constant 112 : index
      %parallel_loop3A_288 = tpu.vector_load %parallel_loop3A_285[%parallel_loop3A_286, %parallel_loop3A_287] {strides = array<i32>} : memref<80x128xf32, #tpu.memory_space<vmem>>, vector<1x16xf32>,
      %parallel_loop3A_289 = vector.shape_cast %parallel_loop3A_288 : vector<1x16xf32> to vector<16xf32>
      %parallel_loop3A_290 = arith.mulf %parallel_loop3A_281, %parallel_loop3A_289 : vector<16xf32>
      %parallel_loop3A_291 = arith.addf %parallel_loop3A_171, %parallel_loop3A_188 : vector<16xf32>
      %parallel_loop3A_292 = arith.addf %parallel_loop3A_205, %parallel_loop3A_222 : vector<16xf32>
      %parallel_loop3A_293 = arith.addf %parallel_loop3A_239, %parallel_loop3A_256 : vector<16xf32>
      %parallel_loop3A_294 = arith.addf %parallel_loop3A_273, %parallel_loop3A_290 : vector<16xf32>
      %parallel_loop3A_295 = arith.addf %parallel_loop3A_291, %parallel_loop3A_292 : vector<16xf32>
      %parallel_loop3A_296 = arith.addf %parallel_loop3A_293, %parallel_loop3A_294 : vector<16xf32>
      %parallel_loop3A_297 = arith.addf %parallel_loop3A_295, %parallel_loop3A_296 : vector<16xf32>
      %parallel_loop3A_298 = arith.mulf %parallel_loop3A_297, %parallel_loop3A_154 : vector<16xf32>
      %parallel_loop3A_299 = arith.addf %parallel_loop3A_96, %parallel_loop3A_298 : vector<16xf32>
      scf.yield %parallel_loop3A_299 : vector<16xf32>
    } {sc.loop_unroll_factor = 4 : i64, sc.parallel_access}
    %swap3A = arith.constant 0 : index
    %swap3A_92 = tpu.vector_load %arg12[%swap3A] {strides = array<i32>} : memref<16xf32, #tpu.memory_space<vmem>>, vector<16xf32>,
    %swap3A_93 = vector.shape_cast %swap3A_92 : vector<16xf32> to vector<16xf32>
    %swap3A_94 = vector.shape_cast %parallel_loop3A_91 : vector<16xf32> to vector<16xf32>
    tpu.vector_store %arg12[%swap3A], %swap3A_94 {strides = array<i32>} : memref<16xf32, #tpu.memory_space<vmem>>, vector<16xf32>,
    "tpu.region"() ({
      %run_scoped3A = tpu.sem_alloc : memref<!tpu.dma_semaphore, #tpu.memory_space<semaphore_mem>>
      %dma_start3A_95 = arith.constant 0 : i32
      %dma_start3A_96 = tpu.memref_slice %arg6[%add3A, %dma_start3A_95] : memref<32x16xf32, #tpu.memory_space<hbm>> -> memref<1x16xf32, #tpu.memory_space<hbm>>
      %dma_start3A_97 = tpu.memref_squeeze %dma_start3A_96 : memref<1x16xf32, #tpu.memory_space<hbm>> -> memref<16xf32, #tpu.memory_space<hbm>>
      %dma_start3A_98 = arith.constant 0 : i32
      %dma_start3A_99 = tpu.memref_slice %arg6[%add3A, %dma_start3A_98] : memref<32x16xf32, #tpu.memory_space<hbm>> -> memref<1x16xf32, #tpu.memory_space<hbm>>
      %dma_start3A_100 = tpu.memref_squeeze %dma_start3A_99 : memref<1x16xf32, #tpu.memory_space<hbm>> -> memref<16xf32, #tpu.memory_space<hbm>>
      tpu.enqueue_dma source(%arg12 : memref<16xf32, #tpu.memory_space<vmem>>) target(%dma_start3A_100 : memref<16xf32, #tpu.memory_space<hbm>>) target_semaphore(%run_scoped3A : memref<!tpu.dma_semaphore, #tpu.memory_space<semaphore_mem>>)
      %dma_wait3A_101 = arith.constant 0 : i32
      %dma_wait3A_102 = tpu.memref_slice %arg6[%add3A, %dma_wait3A_101] : memref<32x16xf32, #tpu.memory_space<hbm>> -> memref<1x16xf32, #tpu.memory_space<hbm>>
      %dma_wait3A_103 = tpu.memref_squeeze %dma_wait3A_102 : memref<1x16xf32, #tpu.memory_space<hbm>> -> memref<16xf32, #tpu.memory_space<hbm>>
      %dma_wait3A_104 = arith.constant 0 : i32
      %dma_wait3A_105 = tpu.memref_slice %arg6[%add3A, %dma_wait3A_104] : memref<32x16xf32, #tpu.memory_space<hbm>> -> memref<1x16xf32, #tpu.memory_space<hbm>>
      %dma_wait3A_106 = tpu.memref_squeeze %dma_wait3A_105 : memref<1x16xf32, #tpu.memory_space<hbm>> -> memref<16xf32, #tpu.memory_space<hbm>>
      tpu.wait_dma2 semaphore(%run_scoped3A : memref<!tpu.dma_semaphore, #tpu.memory_space<semaphore_mem>>) src(%arg12 : memref<16xf32, #tpu.memory_space<vmem>>) dst(%dma_wait3A_106 : memref<16xf32, #tpu.memory_space<hbm>>)
      tpu.yield
    }) : () -> ()
    return
  }
}

</mosaic_0001>

<sc_bundles>
// kernel: kernel.3.cloned.1.call-start
scs
__scs_entry_jumppad:
0x0: {  	(pc) =	sbr.rel $0x88, $3  }
0x1: {  	(tag) =	ssettag $0x0;
	lr =	simm.s32 $0x1  }
0x2: {  	[smem:$0x3F9E] =	sst lr;
	_ =	strace $0xD0000000  }
0x3: {  	_ = 	snop  }
0x4: {  	_ = 	snop  }
0x5: {  	_ = 	snop  }
0x6: {  	_ = 	snop  }
0x7: {  	_ = 	snop  }
__scs_overlays_trampoline_lowered:
0x8: {  	[smem:$0x3FAD] =	sst s0  }
0x9: {  	[smem:$0x3FAE] =	sst s1  }
0xa: {  	[smem:$0x3FAF] =	sst s2  }
0xb: {  	[smem:$0x3FB0] =	sst s3  }
0xc: {  	[smem:$0x3FB1] =	sst s4  }
0xd: {  	[smem:$0x3FB2] =	sst s5  }
0xe: {  	[smem:$0x3FB3] =	sst s6  }
0xf: {  	[smem:$0x3FB4] =	sst s7  }
0x10: {  	[smem:$0x3FB5] =	sst s8  }
0x11: {  	[smem:$0x3FB6] =	sst s9;
	s0 =	simm.s32 @!p0 $0x0  }
0x12: {  	s1 =	sld [smem:$0x3F9C];
	s0 =	simm.s32 @p0 $0x1  }
0x13: {  	[smem:$0x3FB7] =	sst s0;
	s0 =	simm.s32 @!p1 $0x0  }
0x14: {  	s2 =	sld [smem:$0x3F9B];
	s0 =	simm.s32 @p1 $0x1  }
0x15: {  	[smem:$0x3FB8] =	sst s0;
	s0 =	simm.s32 @!p2 $0x0  }
0x16: {  	s3 =	sld [smem:$0x3FDB];
	s0 =	simm.s32 @p2 $0x1  }
0x17: {  	s4 =	simm.s32 $0x1BF5;
	[smem:$0x3FBA] =	sst s0  }
0x18: {  	s0 =	sld [smem:$0x3F9D];
	_ =	swait.ge [sflag:s4], $0x0  }
0x19: {  	s7 =	sld [smem:$0x3F9E]  }
0x1a: {  	s8 =	sadd.s32 $0xFFFFE003, lr  }
0x1b: {  	s9 =	sadd.s32 $0xFFFFFEF7, lr;
	s5 =	simm.s32 $0xFFFFFFFF;
	p2 =	slt.u32 s8, $0xFFFFF086  }
0x1c: {  	p1 =	slt.u32 s9, $0xF7A;
	s5 =	simm.s32 @!p2 $0x0  }
0x1d: {  	s5 =	simm.s32 @p1 $0x1;
	p0 =	seq.s32 s7, s2  }
0x1e: {  	s7 =	smul.u32 @!p0 $0xF7A, s2;
	p2 =	seq.s32 @!p0 s5, $0x0  }
0x1f: {  	s9 =	smul.u32 $0xF7A, s1;
	s8 =	simm.s32 @!p0 $0x1BF5;
	p2 =	por !p2, p0  }
0x20: {  	[sflag:s8] =	ssyncset.s32 @!p0 $0xFFFFF086;
	s6 =	sadd.s32 @!p0 s3, s7;
	s7 =	simm.s32 @!p0 $0x108  }
0x21: {  	s3 =	sadd.s32 s3, s9;
	s6 =	sadd.s32 @!p0 $0x88, s6;
	s7 =	simm.s32 @p2 $0x1082  }
0x22: {  	[simem:s7], [sflag:s8] =	dma.local @!p0 [hbm:s6], $0xF7A  }
0x23: {  	s9 =	sor.u32 $0xD0000000, s2;
	s6 =	simm.s32 $0x108;
	_ =	swait.ge @!p0 [sflag:s8], $0x0  }
0x24: {  	s3 =	sadd.s32 $0x88, s3;
	s6 =	simm.s32 @!p1 $0x1082;
	[sflag:s4] =	ssyncset.s32 $0xFFFFF086  }
0x25: {  	[simem:s6], [sflag:s4] =	dma.local [hbm:s3], $0xF7A  }
0x26: {  	[smem:$0x3F9E] =	sst s1;
	(tag) =	ssettag s2;
	_ =	strace s9  }
0x27: {  	s1 =	sld [smem:$0x3FAE]  }
0x28: {  	s2 =	sld [smem:$0x3FAF]  }
0x29: {  	s4 =	sld [smem:$0x3FB1]  }
0x2a: {  	p0 =	seq.s32 s5, $0x0;
	s5 =	sld [smem:$0x3FB2]  }
0x2b: {  	s6 =	sld [smem:$0x3FB3]  }
0x2c: {  	s7 =	sld [smem:$0x3FB4]  }
0x2d: {  	s3 =	simm.s32 $0x108;
	s8 =	sld [smem:$0x3FB5]  }
0x2e: {  	s3 =	simm.s32 @!p0 $0x1082;
	s9 =	sld [smem:$0x3FB6]  }
0x2f: {  	lr =	sadd.s32 s0, s3;
	s0 =	sld [smem:$0x3FAD]  }
0x30: {  	s3 =	sld [smem:$0x3FB0]  }
0x31: {  	[smem:$0x3FB9] =	sst s10  }
0x32: {  	s10 =	sld [smem:$0x3FB7];
	_ =	sdelay $0x3  }
0x33: {  	p0 =	seq.s32 s10, $0x1;
	s10 =	sld [smem:$0x3FB9];
	_ =	sdelay $0x3  }
0x34: {  	[smem:$0x3FB9] =	sst s10  }
0x35: {  	s10 =	sld [smem:$0x3FB8];
	_ =	sdelay $0x3  }
0x36: {  	p1 =	seq.s32 s10, $0x1;
	s10 =	sld [smem:$0x3FB9];
	_ =	sdelay $0x3  }
0x37: {  	[smem:$0x3FB9] =	sst s10  }
0x38: {  	s10 =	sld [smem:$0x3FBA]  }
0x39: {  	_ = 	snop;
	(pc) =	sbr.ind lr, $3  }
0x3a: {  	_ = 	snop  }
0x3b: {  	_ = 	snop  }
0x3c: {  	p2 =	seq.s32 s10, $0x1;
	s10 =	sld [smem:$0x3FB9]  }
0x3d: {  	_ =	shalt  }
0x3e: {  	_ =	shalt  }
0x3f: {  	_ =	shalt  }
0x40: {  	_ =	shalt  }
0x41: {  	_ =	shalt  }
0x42: {  	_ =	shalt  }
0x43: {  	_ =	shalt  }
0x44: {  	_ =	shalt  }
0x45: {  	_ =	shalt  }
0x46: {  	_ =	shalt  }
0x47: {  	_ =	shalt  }
0x48: {  	_ =	shalt  }
0x49: {  	_ =	shalt  }
0x4a: {  	_ =	shalt  }
0x4b: {  	_ =	shalt  }
0x4c: {  	_ =	shalt  }
0x4d: {  	_ =	shalt  }
0x4e: {  	_ =	shalt  }
0x4f: {  	_ =	shalt  }
0x50: {  	_ =	shalt  }
0x51: {  	_ =	shalt  }
0x52: {  	_ =	shalt  }
0x53: {  	_ =	shalt  }
0x54: {  	_ =	shalt  }
0x55: {  	_ =	shalt  }
0x56: {  	_ =	shalt  }
0x57: {  	_ =	shalt  }
0x58: {  	_ =	shalt  }
0x59: {  	_ =	shalt  }
0x5a: {  	_ =	shalt  }
0x5b: {  	_ =	shalt  }
0x5c: {  	_ =	shalt  }
0x5d: {  	_ =	shalt  }
0x5e: {  	_ =	shalt  }
0x5f: {  	_ =	shalt  }
0x60: {  	_ =	shalt  }
0x61: {  	_ =	shalt  }
0x62: {  	_ =	shalt  }
0x63: {  	_ =	shalt  }
0x64: {  	_ =	shalt  }
0x65: {  	_ =	shalt  }
0x66: {  	_ =	shalt  }
0x67: {  	_ =	shalt  }
0x68: {  	_ =	shalt  }
0x69: {  	_ =	shalt  }
0x6a: {  	_ =	shalt  }
0x6b: {  	_ =	shalt  }
0x6c: {  	_ =	shalt  }
0x6d: {  	_ =	shalt  }
0x6e: {  	_ =	shalt  }
0x6f: {  	_ =	shalt  }
0x70: {  	_ =	shalt  }
0x71: {  	_ =	shalt  }
0x72: {  	_ =	shalt  }
0x73: {  	_ =	shalt  }
0x74: {  	_ =	shalt  }
0x75: {  	_ =	shalt  }
0x76: {  	_ =	shalt  }
0x77: {  	_ =	shalt  }
0x78: {  	_ =	shalt  }
0x79: {  	_ =	shalt  }
0x7a: {  	_ =	shalt  }
0x7b: {  	_ =	shalt  }
0x7c: {  	_ =	shalt  }
0x7d: {  	_ =	shalt  }
0x7e: {  	_ =	shalt  }
0x7f: {  	_ =	shalt  }
0x80: {  	_ =	shalt  }
0x81: {  	_ =	shalt  }
0x82: {  	_ =	shalt  }
0x83: {  	_ =	shalt  }
0x84: {  	_ =	shalt  }
0x85: {  	_ =	shalt  }
0x86: {  	_ =	shalt  }
0x87: {  	_ =	shalt  }
.Lfunc_end0:
.L_simem_size_0:
called_computation_lowered:
.L_overlay_start_0:
0x88: {  	s2 =	sld [smem:$0x3FD9]  }
0x89: {  	s3 =	sld [smem:$0x3FFE];
	_ =	sdelay $0x1  }
0x8a: {  	s1 =	srdreg.scid  }
0x8b: {  	s0 =	sand.u32 $0x1, s1  }
0x8c: {  	s17 =	sshll.u32 s0, $0xA;
	s2 =	sadd.s32 s3, s2  }
0x8d: {  	s2 =	sadd.s32 s2, s17  }
0x8e: {  	[smem:$0x3FC5] =	sst s2  }
0x8f: {  	_ = 	snop  }
0x90: {  	s2 =	sld [smem:$0x3FC9]  }
0x91: {  	s18 =	sld [smem:$0x3FC7];
	(tm) =	ssettm $0x1  }
0x92: {  	s4 =	sld [smem:$0x3FFB];
	_ =	sdelay $0x3  }
0x93: {  	_ =	strace s4  }
0x94: {  	s4 =	sld [smem:$0x3FFC];
	_ =	sdelay $0x3  }
0x95: {  	_ =	strace s4  }
0x96: {  	s4 =	sld [smem:$0x3FFD];
	_ =	sdelay $0x3  }
0x97: {  	_ =	strace s4  }
0x98: {  	_ =	strace $0x8FFFFFFF  }
0x99: {  	s19 =	sld [smem:$0x3FDB];
	_ =	sdelay $0x1  }
0x9a: {  	s5 =	simm.s32 $_scs_section_size  }
0x9b: {  	s6 =	simm.s32 $_size__tile_overlayer_lowered;
	s7 =	simm.s32 $_tile_overlayer_lowered  }
0x9c: {  	s22 =	simm.s32 $0x1BFF;
	s21 =	sshll.u32 s7, $0x1;
	s4 =	sadd.s32 s5, s19  }
0x9d: {  	s8 =	simm.s32 $0x0;
	s20 =	sshll.u32 s6, $0x1;
	s6 =	sadd.s32 s21, s4  }
0x9e: {  	[timem:s8], [sflag:s22] =	dma.local [hbm:s6], s20  }
0x9f: {  	_ =	swait.ge [sflag:s22], s20  }
0xa0: {  	s5 =	ssub.s32 $0x0, s20;
	[sflag:s22] =	ssyncset.done $0x0  }
0xa1: {  	[sflag:s22] =	ssyncadd.s32 s5;
	_ =	sdelay $0x1  }
0xa2: {  	s23 =	simm.s32 $0x1B8B  }
0xa3: {  	_ =	swait.ge [sflag:s23], $0x1  }
0xa4: {  	[sflag:s23] =	ssyncset.done $0x0  }
0xa5: {  	s25 =	simm.s32 $0x1B8E;
	s24 =	sld [smem:$0x3FFE];
	[sflag:s23] =	ssyncadd.s32 $0xFFFFFFFF  }
0xa6: {  	s26 =	simm.s32 $execute0_lowered;
	[smem:$0x3FD2] =	sst s25  }
0xa7: {  	s6 =	sshll.u32 s26, $0x1;
	_ =	strace $0x80000046;
	[dreg:$0x1] =	wrdreg $0xFFFFFFFF  }
0xa8: {  	s28 =	simm.s32 $_size_execute0_lowered;
	s4 =	sadd.s32 s4, s6;
	[dreg:$0x0] =	wrdreg $0x0  }
0xa9: {  	s6 =	sshll.u32 s28, $0x1;
	[dreg:$0x2] =	wrdreg s4  }
0xaa: {  	[dreg:$0x3] =	wrdreg s6  }
0xab: {  	[dreg:$0x4] =	wrdreg $0xC0  }
0xac: {  	_ =	task [dreg:s8], $0x5FFFF  }
0xad: {  	[dreg:$0x1] =	wrdreg $0xFFFFFFFF  }
0xae: {  	[dreg:$0x0] =	wrdreg $0x60  }
0xaf: {  	[dreg:$0x2] =	wrdreg s2  }
0xb0: {  	[dreg:$0x3] =	wrdreg s24  }
0xb1: {  	[dreg:$0x4] =	wrdreg s18  }
0xb2: {  	[dreg:$0x5] =	wrdreg $0x9  }
0xb3: {  	_ =	task.clear_ibuf [dreg:s8], $0x6FFFF;
	_ =	strace $0x90000046  }
0xb4: {  	s29 =	simm.s32 $0x9;
	_ =	strace $0x80000048  }
0xb5: {  	_ =	swait.ge [sflag:s29], $0x1  }
0xb6: {  	[sflag:s29] =	ssyncadd.s32 $0xFFFFFFFF  }
0xb7: {  	_ =	strace $0x90000048  }
0xb8: {  	_ =	sfence  }
0xb9: {  	s30 =	sld [smem:$0x0];
	_ =	sdelay $0x2  }
0xba: {  	s31 =	sshll.u32 s1, $0xD;
	s1 =	sshrl.u32 s1, $0x2  }
0xbb: {  	s3 =	sand.u32 $0x4000, s31;
	s1 =	sadd.s32 s1, s30  }
0xbc: {  	s0 =	sor.u32 s3, s0;
	s1 =	sshll.u32 s1, $0x11  }
0xbd: {  	s0 =	sor.u32 s1, s0  }
0xbe: {  	s0 =	sadd.s32 $0x8F2B, s0  }
0xbf: {  	[sflag:s0] =	ssyncadd.remote.s32 $0x1  }
0xc0: {  	_ =	sfence.sel $0xFFFF  }
0xc1: {  	[dreg:$0x0] =	wrdreg $0xFFFFFFFF;
	(pc) =	sbr.abs _section_cstart, $3  }
0xc2: {  	[dreg:$0x1] =	wrdreg $0xFFFFFFFF  }
0xc3: {  	_ =	task.clear_ibuf [dreg:s8], $0x2FFFF;
	_ =	strace $0x9FFFFFFF  }
0xc4: {  	(tm) =	ssettm $0x7FFFFFFF  }
0xc5: {  	_ =	shalt  }
tec
execute0_lowered:
.L_overlay_start_1:
0x0: {  	(tag) =	ssettag $0x1  }
0x1: {  	s1 =	rddreg [dreg:$0x0]  }
0x2: {  	s0 =	rddreg [dreg:$0x1];
	s2 =	srdreg.scid  }
0x3: {  	s3 =	stileid.u32;
	s6 =	rddreg [dreg:$0x2];
	s9 =	simm.s32 $0x5  }
0x4: {  	s10 =	simm.s32 $0x2780;
	s12 =	simm.s32 $0x50;
	s13 =	simm.s32 $0x7680  }
0x5: {  	s14 =	simm.s32 $0x11680;
	s21 =	simm.s32 $0x16680;
	s22 =	simm.s32 $0xEE80  }
0x6: {  	s23 =	simm.s32 $0x18E80;
	s24 =	simm.s32 $0x1;
	s25 =	simm.s32 $0x2  }
0x7: {  	s26 =	simm.s32 $0x3;
	s28 =	simm.s32 $0x4;
	s29 =	simm.s32 $0x1B680  }
0x8: {  	s30 =	simm.s32 $0x0;
	s2 =	sand.u32 $0x1, s2;
	s4 =	sshll.u32 s3, $0x1  }
0x9: {  	s3 =	simm.s32 $0x0;
	s4 =	sor.u32 s2, s4;
	s2 =	ssub.s32 $0x2, s2  }
0xa: {  	[smem:$0x7FF] =	sst s3;
	s7 =	smul.u32 $0x4E2, s4;
	s8 =	sshrl.u32 s2, $0x1  }
0xb: {  	_ =	strace $0x80000047;
	s5 =	sshll.u32 s4, $0x4;
	s2 =	ssub.s32 s2, s8  }
0xc: {  	s4 =	sadd.s32 s0, s7;
	s0 =	sadd.s32 s5, s0;
	s6 =	sadd.s32 s6, s7  }
0xd: {  	s8 =	smax.u32 s2, $0x1;
	s5 =	sadd.s32 $0x9E00, s4;
	s7 =	sadd.s32 $0x13C00, s0  }
.LBB2_1:
0xe: {  	[tilespmem:s3], [sflag:$0x5] =	stream.linear.gather [hbm4b:s5+s3], $0x2710, $0x38;
	[tilespmem:$0x1B700] =	vst v63  }
0xf: {  	_ =	swait.ge [sflag:s9], $0x2710  }
0x10: {  	[sflag:s9] =	ssyncset.done $0x0  }
0x11: {  	[sflag:s9] =	ssyncadd.s32 $0xFFFFD8F0  }
0x12: {  	[tilespmem:s10], [sflag:$0x5] =	stream.linear.gather [hbm4b:s4+s3], $0x2710, $0x38;
	[tilespmem:$0x1B700] =	vst v63  }
0x13: {  	_ =	swait.ge [sflag:s9], $0x2710  }
0x14: {  	[sflag:s9] =	ssyncset.done $0x0  }
0x15: {  	s0 =	simm.s32 $0x4F00;
	[sflag:s9] =	ssyncadd.s32 $0xFFFFD8F0  }
0x16: {  	[tilespmem:s0], [sflag:$0x5] =	stream.linear.gather [hbm4b:s6+s3], $0x2710, $0x38;
	[tilespmem:$0x1B700] =	vst v63  }
0x17: {  	_ =	swait.ge [sflag:s9], $0x2710  }
0x18: {  	[sflag:s9] =	ssyncset.done $0x0  }
0x19: {  	[sflag:s9] =	ssyncadd.s32 $0xFFFFD8F0  }
0x1a: {  	[tilespmem:s13], [sflag:$0x1] =	stream.indirect.gather [hbm4b:s1+s12], $0x80, s3, s12, $0xb8;
	[tilespmem:$0x1B700] =	vst v63  }
0x1b: {  	_ = 	snop  }
0x1c: {  	[tilespmem:s14], [sflag:$0x1] =	stream.indirect.gather [hbm4b:s1+s12], $0x80, s10, s12, $0xb8;
	[tilespmem:$0x1B700] =	vst v63  }
0x1d: {  	s16 =	simm.s32 $0x9E80  }
0x1e: {  	[tilespmem:s16], [sflag:$0x2] =	stream.indirect.gather [hbm4b:s1+s12], $0x80, s12, s12, $0xb8;
	[tilespmem:$0x1B700] =	vst v63  }
0x1f: {  	s17 =	simm.s32 $0x27D0;
	s2 =	simm.s32 $0x13E80  }
0x20: {  	[tilespmem:s2], [sflag:$0x2] =	stream.indirect.gather [hbm4b:s1+s12], $0x80, s17, s12, $0xb8;
	[tilespmem:$0x1B700] =	vst v63  }
0x21: {  	s18 =	simm.s32 $0xA0;
	s19 =	simm.s32 $0xC680  }
0x22: {  	[tilespmem:s19], [sflag:$0x3] =	stream.indirect.gather [hbm4b:s1+s12], $0x80, s18, s12, $0xb8;
	[tilespmem:$0x1B700] =	vst v63  }
0x23: {  	s20 =	simm.s32 $0x2820;
	s31 =	simm.s32 $0x0  }
0x24: {  	v0 =	vimm.f32 $0.0e+00;
	[tilespmem:s21], [sflag:$0x3] =	stream.indirect.gather [hbm4b:s1+s12], $0x80, s20, s12, $0xb8;
	[tilespmem:$0x1B700] =	vst v63  }
.LBB2_2:
0x25: {  	s2 =	sshllo.u32 s31, $0x2  }
0x26: {  	s0 =	smul.u32 $0x50, s2;
	_ =	sdelay $0x1  }
0x27: {  	[tilespmem:s22], [sflag:$0x4] =	stream.indirect.gather [hbm4b:s1+s12], $0x80, s0, s12, $0xb8;
	[tilespmem:$0x1B700] =	vst v63  }
0x28: {  	s0 =	sadd.s32 $0x2780, s0  }
0x29: {  	[tilespmem:s23], [sflag:$0x4] =	stream.indirect.gather [hbm4b:s1+s12], $0x80, s0, s12, $0xb8;
	[tilespmem:$0x1B700] =	vst v63  }
0x2a: {  	_ =	swait.ge [sflag:s24], $0x2800  }
0x2b: {  	[sflag:s24] =	ssyncset.done $0x0  }
0x2c: {  	[sflag:s24] =	ssyncadd.s32 $0xFFFFD800  }
0x2d: {  	_ =	swait.ge [sflag:s24], $0x2800  }
0x2e: {  	[sflag:s24] =	ssyncset.done $0x0  }
0x2f: {  	s19 =	simm.s32 $0x76C0;
	[sflag:s24] =	ssyncadd.s32 $0xFFFFD800  }
0x30: {  	s15 =	simm.s32 $0x116C0;
	v3 =	vld [tilespmem:s19+$0xFFFFFFC0]  }
0x31: {  	v5 =	vld [tilespmem:s15+$0xFFFFFFC0]  }
0x32: {  	v7 =	vld [tilespmem:s19+$0xFFFFFFD0]  }
0x33: {  	v8 =	vld [tilespmem:s15+$0xFFFFFFD0]  }
0x34: {  	v9 =	vld [tilespmem:s19+$0xFFFFFFE0]  }
0x35: {  	v10 =	vld [tilespmem:s15+$0xFFFFFFE0]  }
0x36: {  	v11 =	vld [tilespmem:s19+$0xFFFFFFF0]  }
0x37: {  	v12 =	vld [tilespmem:s15+$0xFFFFFFF0]  }
0x38: {  	v13 =	vld [tilespmem:s19+$0x0]  }
0x39: {  	v14 =	vld [tilespmem:s15+$0x0]  }
0x3a: {  	s11 =	smul.u32 $0x500, s31;
	v15 =	vld [tilespmem:s19+$0x10]  }
0x3b: {  	v16 =	vld [tilespmem:s15+$0x10]  }
0x3c: {  	s11 =	sshra.s32 s11, $0x2;
	v17 =	vld [tilespmem:s19+$0x20]  }
0x3d: {  	s16 =	sadd.s32 $0x4F00, s11;
	v18 =	vld [tilespmem:s15+$0x20]  }
0x3e: {  	v6 =	vmov s16;
	v19 =	vld [tilespmem:s19+$0x30]  }
0x3f: {  	s20 =	simm.s32 $0x7740;
	v20 =	vld [tilespmem:s15+$0x30]  }
0x40: {  	s16 =	simm.s32 $0x11740;
	s0 =	simm.s32 $0x0;
	v4 =	vld [tilespmem:s20+$0xFFFFFFC0]  }
0x41: {  	s17 =	sand.u32 $0x1C0, s0;
	v1 =	vld [tilespmem:s16+$0xFFFFFFC0]  }
0x42: {  	s17 =	sshrl.u32 s17, $0x2;
	v2 =	vld [tilespmem:s20+$0xFFFFFFD0]  }
0x43: {  	v22 =	vld.idx.msk [tilespmem:v6+s17+$0x0 ss:$0x1], $0xffff;
	v21 =	vmul.f32 v5, v3;
	v8 =	vmul.f32 v8, v7  }
0x44: {  	v3 =	vld [tilespmem:s16+$0xFFFFFFD0];
	v9 =	vmul.f32 v10, v9;
	v10 =	vmul.f32 v12, v11  }
0x45: {  	v11 =	vmul.f32 v14, v13;
	v12 =	vmul.f32 v16, v15;
	v5 =	vld [tilespmem:s20+$0xFFFFFFE0]  }
0x46: {  	v13 =	vmul.f32 v18, v17;
	v14 =	vmul.f32 v20, v19;
	v7 =	vld [tilespmem:s16+$0xFFFFFFE0]  }
0x47: {  	v15 =	vadd.f32 v8, v21;
	v16 =	vadd.f32 v10, v9;
	v8 =	vld [tilespmem:s20+$0xFFFFFFF0]  }
0x48: {  	v11 =	vadd.f32 v12, v11;
	v12 =	vadd.f32 v14, v13;
	v9 =	vld [tilespmem:s16+$0xFFFFFFF0]  }
0x49: {  	v10 =	vld [tilespmem:s20+$0x0]  }
0x4a: {  	v13 =	vadd.f32 v16, v15;
	v14 =	vadd.f32 v12, v11;
	v11 =	vld [tilespmem:s16+$0x0]  }
0x4b: {  	v15 =	vmov s0;
	v12 =	vld [tilespmem:s20+$0x10]  }
0x4c: {  	v15 =	vperm.xlane v22, v15;
	v16 =	vadd.f32 v14, v13;
	v13 =	vld [tilespmem:s16+$0x10]  }
0x4d: {  	v14 =	vld [tilespmem:s20+$0x20]  }
0x4e: {  	v17 =	vmul.f32 v16, v15;
	v15 =	vld [tilespmem:s16+$0x20]  }
0x4f: {  	v16 =	vld [tilespmem:s20+$0x30]  }
0x50: {  	s18 =	simm.s32 $0x2;
	s15 =	simm.s32 $0x1;
	s17 =	simm.s32 $0x77C0;
	v0 =	vadd.f32 v17, v0;
	v17 =	vld [tilespmem:s16+$0x30]  }
.LBB2_3:
0x51: {  	v18 =	vld [tilespmem:s17+$0xFFFFFFC0];
	p0 =	sne.s32 s18, $0x4F;
	s16 =	sadd.s32 $0x80, s16  }
0x52: {  	v4 =	vmul.f32 v1, v4;
	v19 =	vmul.f32 v3, v2;
	s0 =	sadd.s32 $0x4, s0;
	v1 =	vld [tilespmem:s16+$0xFFFFFFC0]  }
0x53: {  	v7 =	vmul.f32 v7, v5;
	v8 =	vmul.f32 v9, v8;
	s19 =	sand.u32 $0x1C0, s0;
	v2 =	vld [tilespmem:s17+$0xFFFFFFD0]  }
0x54: {  	v9 =	vmul.f32 v11, v10;
	v10 =	vmul.f32 v13, v12;
	s19 =	sshrl.u32 s19, $0x2;
	v3 =	vld [tilespmem:s16+$0xFFFFFFD0]  }
0x55: {  	v11 =	vmul.f32 v15, v14;
	v12 =	vld.idx.msk [tilespmem:v6+s19+$0x0 ss:$0x1], $0xffff;
	v13 =	vmul.f32 v17, v16  }
0x56: {  	v14 =	vadd.f32 v19, v4;
	v15 =	vadd.f32 v8, v7;
	v5 =	vld [tilespmem:s17+$0xFFFFFFE0];
	v4 =	vmov v18  }
0x57: {  	v10 =	vadd.f32 v10, v9;
	v7 =	vld [tilespmem:s16+$0xFFFFFFE0];
	v11 =	vadd.f32 v13, v11  }
0x58: {  	v8 =	vld [tilespmem:s17+$0xFFFFFFF0]  }
0x59: {  	v13 =	vadd.f32 v15, v14;
	v9 =	vld [tilespmem:s16+$0xFFFFFFF0];
	v14 =	vadd.f32 v11, v10  }
0x5a: {  	v15 =	vmov s15;
	s15 =	smov.u32 s18;
	v10 =	vld [tilespmem:s17+$0x0]  }
0x5b: {  	v15 =	vperm.xlane v12, v15;
	v11 =	vld [tilespmem:s16+$0x0];
	v14 =	vadd.f32 v14, v13  }
0x5c: {  	v12 =	vld [tilespmem:s17+$0x10]  }
.Ltmp0:
0x5d: {  	v13 =	vld [tilespmem:s16+$0x10];
	v16 =	vmul.f32 v14, v15;
	(pc) =	sbr.rel @p0 .LBB2_3-.Ltmp0, $4  }
0x5e: {  	v14 =	vld [tilespmem:s17+$0x20]  }
0x5f: {  	v15 =	vld [tilespmem:s16+$0x20];
	v0 =	vadd.f32 v16, v0  }
0x60: {  	v16 =	vld [tilespmem:s17+$0x30]  }
0x61: {  	s18 =	sadd.s32 $0x1, s18;
	s17 =	sadd.s32 $0x80, s17;
	v17 =	vld [tilespmem:s16+$0x30]  }
0x62: {  	s0 =	sadd.s32 $0x4, s0  }
0x63: {  	s16 =	sand.u32 $0x1C0, s0;
	s0 =	smul.u32 $0x140, s31;
	_ =	sdelay $0x1  }
0x64: {  	s16 =	sshrl.u32 s16, $0x2;
	s17 =	sadd.s32 $0x140, s0  }
0x65: {  	v18 =	vld.idx.msk [tilespmem:v6+s16+$0x0 ss:$0x1], $0xffff;
	[tilespmem:s13], [sflag:$0x1] =	stream.indirect.gather [hbm4b:s1+s12], $0x80, s17, s12, $0xb8  }
0x66: {  	s18 =	sadd.s32 $0x28C0, s0  }
0x67: {  	[tilespmem:s14], [sflag:$0x1] =	stream.indirect.gather [hbm4b:s1+s12], $0x80, s18, s12, $0xb8;
	[tilespmem:$0x1B700] =	vst v63  }
0x68: {  	_ =	swait.ge [sflag:s25], $0x2800  }
0x69: {  	[sflag:s25] =	ssyncset.done $0x0  }
0x6a: {  	[sflag:s25] =	ssyncadd.s32 $0xFFFFD800  }
0x6b: {  	_ =	swait.ge [sflag:s25], $0x2800  }
0x6c: {  	[sflag:s25] =	ssyncset.done $0x0  }
0x6d: {  	s19 =	simm.s32 $0x9EF0;
	[sflag:s25] =	ssyncadd.s32 $0xFFFFD800  }
0x6e: {  	s17 =	simm.s32 $0x13EF0;
	v6 =	vld [tilespmem:s19+$0xFFFFFF90]  }
0x6f: {  	v19 =	vld [tilespmem:s17+$0xFFFFFF90]  }
0x70: {  	v20 =	vld [tilespmem:s19+$0xFFFFFFA0]  }
0x71: {  	v21 =	vld [tilespmem:s17+$0xFFFFFFA0]  }
0x72: {  	v22 =	vld [tilespmem:s19+$0xFFFFFFB0]  }
0x73: {  	v23 =	vld [tilespmem:s17+$0xFFFFFFB0]  }
0x74: {  	v24 =	vld [tilespmem:s19+$0xFFFFFFC0]  }
0x75: {  	v25 =	vld [tilespmem:s17+$0xFFFFFFC0]  }
0x76: {  	v26 =	vld [tilespmem:s19+$0xFFFFFFD0]  }
0x77: {  	v27 =	vld [tilespmem:s17+$0xFFFFFFD0]  }
0x78: {  	v28 =	vld [tilespmem:s19+$0xFFFFFFE0]  }
0x79: {  	v29 =	vld [tilespmem:s17+$0xFFFFFFE0]  }
0x7a: {  	v32 =	vmul.f32 v1, v4;
	v2 =	vmul.f32 v3, v2;
	v30 =	vld [tilespmem:s19+$0xFFFFFFF0]  }
0x7b: {  	v3 =	vmul.f32 v7, v5;
	v8 =	vmul.f32 v9, v8;
	v31 =	vld [tilespmem:s17+$0xFFFFFFF0]  }
0x7c: {  	v9 =	vmul.f32 v11, v10;
	v10 =	vmul.f32 v13, v12;
	v33 =	vld [tilespmem:s19+$0x0]  }
0x7d: {  	s20 =	simm.s32 $0x9F70;
	v11 =	vmul.f32 v15, v14;
	v12 =	vmul.f32 v17, v16;
	v7 =	vld [tilespmem:s17+$0x0]  }
0x7e: {  	v13 =	vadd.f32 v2, v32;
	v8 =	vadd.f32 v8, v3;
	s16 =	simm.s32 $0x13F70;
	s18 =	sadd.s32 $0x4F50, s11;
	v4 =	vld [tilespmem:s20+$0xFFFFFF90]  }
0x7f: {  	v9 =	vadd.f32 v10, v9;
	v11 =	vadd.f32 v12, v11;
	v5 =	vmov s18;
	v1 =	vld [tilespmem:s16+$0xFFFFFF90]  }
0x80: {  	v13 =	vadd.f32 v8, v13;
	v2 =	vld [tilespmem:s20+$0xFFFFFFA0]  }
0x81: {  	v11 =	vadd.f32 v11, v9;
	s17 =	simm.s32 $0x0;
	v3 =	vld [tilespmem:s16+$0xFFFFFFA0];
	v10 =	vmul.f32 v19, v6;
	v14 =	vmul.f32 v21, v20  }
0x82: {  	v8 =	vld [tilespmem:s20+$0xFFFFFFC0];
	s19 =	sand.u32 $0x1C0, s17;
	v12 =	vmul.f32 v23, v22;
	v15 =	vmul.f32 v25, v24  }
0x83: {  	v13 =	vadd.f32 v11, v13;
	v11 =	vld [tilespmem:s16+$0xFFFFFFD0];
	s19 =	sshrl.u32 s19, $0x2;
	v17 =	vmul.f32 v27, v26;
	v19 =	vmul.f32 v29, v28  }
0x84: {  	v16 =	vld.idx.msk [tilespmem:v5+s19+$0x0 ss:$0x1], $0xffff;
	v9 =	vmul.f32 v31, v30;
	v63 =	vmul.f32 v7, v33  }
0x85: {  	v6 =	vld [tilespmem:s20+$0xFFFFFFB0];
	v14 =	vadd.f32 v14, v10;
	v12 =	vadd.f32 v15, v12  }
0x86: {  	v7 =	vld [tilespmem:s16+$0xFFFFFFB0];
	v15 =	vadd.f32 v19, v17;
	v17 =	vadd.f32 v63, v9  }
0x87: {  	v9 =	vld [tilespmem:s16+$0xFFFFFFC0];
	v19 =	vmov s15  }
0x88: {  	v10 =	vld [tilespmem:s20+$0xFFFFFFD0];
	v18 =	vperm.xlane v18, v19;
	v14 =	vadd.f32 v12, v14;
	v15 =	vadd.f32 v17, v15  }
0x89: {  	v17 =	vmov s17;
	v12 =	vld [tilespmem:s20+$0xFFFFFFE0]  }
0x8a: {  	v18 =	vmul.f32 v13, v18;
	v16 =	vperm.xlane v16, v17;
	v13 =	vld [tilespmem:s16+$0xFFFFFFE0];
	v15 =	vadd.f32 v15, v14  }
0x8b: {  	v14 =	vld [tilespmem:s20+$0xFFFFFFF0]  }
0x8c: {  	v0 =	vadd.f32 v18, v0;
	v17 =	vmul.f32 v15, v16;
	v15 =	vld [tilespmem:s16+$0xFFFFFFF0]  }
0x8d: {  	v16 =	vld [tilespmem:s20+$0x0]  }
0x8e: {  	s18 =	simm.s32 $0x9FF0;
	s19 =	simm.s32 $0x2;
	s15 =	simm.s32 $0x1;
	v0 =	vadd.f32 v17, v0;
	v17 =	vld [tilespmem:s16+$0x0]  }
.LBB2_5:
0x8f: {  	v18 =	vld [tilespmem:s18+$0xFFFFFF90];
	p0 =	sne.s32 s19, $0x4F;
	s16 =	sadd.s32 $0x80, s16  }
0x90: {  	v4 =	vmul.f32 v1, v4;
	v19 =	vmul.f32 v3, v2;
	s17 =	sadd.s32 $0x4, s17;
	v1 =	vld [tilespmem:s16+$0xFFFFFF90]  }
0x91: {  	v7 =	vmul.f32 v7, v6;
	v8 =	vmul.f32 v9, v8;
	s20 =	sand.u32 $0x1C0, s17;
	v2 =	vld [tilespmem:s18+$0xFFFFFFA0]  }
0x92: {  	v9 =	vmul.f32 v11, v10;
	v10 =	vmul.f32 v13, v12;
	s20 =	sshrl.u32 s20, $0x2;
	v3 =	vld [tilespmem:s16+$0xFFFFFFA0]  }
0x93: {  	v11 =	vmul.f32 v15, v14;
	v12 =	vld.idx.msk [tilespmem:v5+s20+$0x0 ss:$0x1], $0xffff;
	v13 =	vmul.f32 v17, v16  }
0x94: {  	v14 =	vadd.f32 v19, v4;
	v15 =	vadd.f32 v8, v7;
	v6 =	vld [tilespmem:s18+$0xFFFFFFB0];
	v4 =	vmov v18  }
0x95: {  	v10 =	vadd.f32 v10, v9;
	v7 =	vld [tilespmem:s16+$0xFFFFFFB0];
	v11 =	vadd.f32 v13, v11  }
0x96: {  	v8 =	vld [tilespmem:s18+$0xFFFFFFC0]  }
0x97: {  	v13 =	vadd.f32 v15, v14;
	v9 =	vld [tilespmem:s16+$0xFFFFFFC0];
	v14 =	vadd.f32 v11, v10  }
0x98: {  	v15 =	vmov s15;
	s15 =	smov.u32 s19;
	v10 =	vld [tilespmem:s18+$0xFFFFFFD0]  }
0x99: {  	v15 =	vperm.xlane v12, v15;
	v11 =	vld [tilespmem:s16+$0xFFFFFFD0];
	v14 =	vadd.f32 v14, v13  }
0x9a: {  	v12 =	vld [tilespmem:s18+$0xFFFFFFE0]  }
.Ltmp1:
0x9b: {  	v13 =	vld [tilespmem:s16+$0xFFFFFFE0];
	v16 =	vmul.f32 v14, v15;
	(pc) =	sbr.rel @p0 .LBB2_5-.Ltmp1, $4  }
0x9c: {  	v14 =	vld [tilespmem:s18+$0xFFFFFFF0]  }
0x9d: {  	v15 =	vld [tilespmem:s16+$0xFFFFFFF0];
	v0 =	vadd.f32 v16, v0  }
0x9e: {  	v16 =	vld [tilespmem:s18+$0x0]  }
0x9f: {  	s19 =	sadd.s32 $0x1, s19;
	s18 =	sadd.s32 $0x80, s18;
	v17 =	vld [tilespmem:s16+$0x0]  }
0xa0: {  	_ = 	snop  }
0xa1: {  	s16 =	sadd.s32 $0x4, s17  }
0xa2: {  	s16 =	sand.u32 $0x1C0, s16  }
0xa3: {  	p0 =	seq.s32 s31, $0x1E;
	s16 =	sshrl.u32 s16, $0x2  }
0xa4: {  	s17 =	simm.s32 @!p0 $0x50;
	s18 =	simm.s32 @!p0 $0x9E80;
	v18 =	vld.idx.msk [tilespmem:v5+s16+$0x0 ss:$0x1], $0xffff;
	s16 =	sadd.s32 @!p0 $0x190, s0  }
0xa5: {  	[tilespmem:s18], [sflag:$0x2] =	stream.indirect.gather @!p0 [hbm4b:s1+s17], $0x80, s16, s17, $0xb8;
	[tilespmem:$0x1B700] =	vst v63  }
0xa6: {  	s16 =	sadd.s32 @!p0 $0x2910, s0;
	s18 =	simm.s32 @!p0 $0x13E80  }
0xa7: {  	[tilespmem:s18], [sflag:$0x2] =	stream.indirect.gather @!p0 [hbm4b:s1+s17], $0x80, s16, s17, $0xb8;
	[tilespmem:$0x1B700] =	vst v63  }
0xa8: {  	_ =	swait.ge [sflag:s26], $0x2800  }
0xa9: {  	[sflag:s26] =	ssyncset.done $0x0  }
0xaa: {  	[sflag:s26] =	ssyncadd.s32 $0xFFFFD800  }
0xab: {  	_ =	swait.ge [sflag:s26], $0x2800  }
0xac: {  	[sflag:s26] =	ssyncset.done $0x0  }
0xad: {  	s19 =	simm.s32 $0x0;
	[sflag:s26] =	ssyncadd.s32 $0xFFFFD800  }
0xae: {  	v19 =	vld [tilespmem:s19+$0xC680]  }
0xaf: {  	v20 =	vld [tilespmem:s19+$0x16680]  }
0xb0: {  	v21 =	vld [tilespmem:s19+$0xC690]  }
0xb1: {  	v22 =	vld [tilespmem:s19+$0x16690]  }
0xb2: {  	v23 =	vld [tilespmem:s19+$0xC6A0]  }
0xb3: {  	v24 =	vld [tilespmem:s19+$0x166A0]  }
0xb4: {  	v25 =	vld [tilespmem:s19+$0xC6B0]  }
0xb5: {  	v26 =	vld [tilespmem:s19+$0x166B0]  }
0xb6: {  	v27 =	vld [tilespmem:s19+$0xC6C0]  }
0xb7: {  	v28 =	vld [tilespmem:s19+$0x166C0]  }
0xb8: {  	v29 =	vld [tilespmem:s19+$0xC6D0]  }
0xb9: {  	v30 =	vld [tilespmem:s19+$0x166D0]  }
0xba: {  	v1 =	vmul.f32 v1, v4;
	v2 =	vmul.f32 v3, v2;
	v31 =	vld [tilespmem:s19+$0xC6E0]  }
0xbb: {  	v3 =	vmul.f32 v7, v6;
	v7 =	vmul.f32 v9, v8;
	v32 =	vld [tilespmem:s19+$0x166E0]  }
0xbc: {  	v8 =	vmul.f32 v11, v10;
	v10 =	vmul.f32 v13, v12;
	v6 =	vld [tilespmem:s19+$0xC6F0]  }
0xbd: {  	v11 =	vmul.f32 v15, v14;
	v12 =	vmul.f32 v17, v16;
	s16 =	simm.s32 $0x80;
	v9 =	vld [tilespmem:s19+$0x166F0]  }
0xbe: {  	s11 =	sadd.s32 $0x4FA0, s11;
	v13 =	vadd.f32 v2, v1;
	v7 =	vadd.f32 v7, v3;
	v4 =	vld [tilespmem:s16+$0xC680]  }
0xbf: {  	v8 =	vadd.f32 v10, v8;
	v5 =	vmov s11;
	v11 =	vadd.f32 v12, v11;
	v1 =	vld [tilespmem:s16+$0x16680]  }
0xc0: {  	v13 =	vadd.f32 v7, v13;
	v2 =	vld [tilespmem:s16+$0xC690];
	v10 =	vmul.f32 v20, v19;
	v14 =	vmul.f32 v22, v21  }
0xc1: {  	s17 =	simm.s32 $0x0;
	v11 =	vadd.f32 v11, v8;
	v3 =	vld [tilespmem:s16+$0x16690];
	v12 =	vmul.f32 v24, v23;
	v15 =	vmul.f32 v26, v25  }
0xc2: {  	s20 =	sand.u32 $0x1C0, s17;
	v7 =	vld [tilespmem:s16+$0x166A0];
	v16 =	vmul.f32 v28, v27;
	v17 =	vmul.f32 v30, v29  }
0xc3: {  	s11 =	sshrl.u32 s20, $0x2;
	v13 =	vadd.f32 v11, v13;
	v11 =	vld [tilespmem:s16+$0x166C0];
	v8 =	vmul.f32 v32, v31;
	v9 =	vmul.f32 v9, v6  }
0xc4: {  	v19 =	vld.idx.msk [tilespmem:v5+s11+$0x0 ss:$0x1], $0xffff;
	v10 =	vadd.f32 v14, v10;
	v12 =	vadd.f32 v15, v12  }
0xc5: {  	v6 =	vld [tilespmem:s16+$0xC6A0];
	v14 =	vadd.f32 v17, v16;
	v15 =	vadd.f32 v9, v8  }
0xc6: {  	v8 =	vld [tilespmem:s16+$0xC6B0];
	v16 =	vmov s15  }
0xc7: {  	v9 =	vld [tilespmem:s16+$0x166B0];
	v16 =	vperm.xlane v18, v16;
	v12 =	vadd.f32 v12, v10;
	v14 =	vadd.f32 v15, v14  }
0xc8: {  	v10 =	vld [tilespmem:s16+$0xC6C0];
	v15 =	vmov s17  }
0xc9: {  	v16 =	vmul.f32 v13, v16;
	v15 =	vperm.xlane v19, v15;
	v13 =	vld [tilespmem:s16+$0x166D0];
	v14 =	vadd.f32 v14, v12  }
0xca: {  	v12 =	vld [tilespmem:s16+$0xC6D0]  }
0xcb: {  	v0 =	vadd.f32 v16, v0;
	v16 =	vmul.f32 v14, v15;
	v14 =	vld [tilespmem:s16+$0xC6E0]  }
0xcc: {  	v15 =	vld [tilespmem:s16+$0x166E0]  }
0xcd: {  	s11 =	simm.s32 $0x0;
	s15 =	simm.s32 $0x400;
	v0 =	vadd.f32 v16, v0;
	v16 =	vld [tilespmem:s16+$0xC6F0]  }
.LBB2_7:
0xce: {  	p1 =	sne.s32 s15, $0x9E00;
	v17 =	vld [tilespmem:s16+$0x166F0];
	s16 =	sshra.s32 s15, $0x2  }
0xcf: {  	v18 =	vld [tilespmem:s16+$0xC680]  }
0xd0: {  	v4 =	vmul.f32 v1, v4;
	v19 =	vmul.f32 v3, v2;
	s17 =	sadd.s32 $0x4, s17;
	v1 =	vld [tilespmem:s16+$0x16680]  }
0xd1: {  	v7 =	vmul.f32 v7, v6;
	v8 =	vmul.f32 v9, v8;
	s18 =	sand.u32 $0x1C0, s17;
	v2 =	vld [tilespmem:s16+$0xC690]  }
0xd2: {  	v9 =	vmul.f32 v11, v10;
	v10 =	vmul.f32 v13, v12;
	s18 =	sshrl.u32 s18, $0x2;
	v3 =	vld [tilespmem:s16+$0x16690]  }
0xd3: {  	v11 =	vmul.f32 v15, v14;
	v12 =	vld.idx.msk [tilespmem:v5+s18+$0x0 ss:$0x1], $0xffff;
	v13 =	vmul.f32 v17, v16  }
0xd4: {  	v14 =	vadd.f32 v19, v4;
	v15 =	vadd.f32 v8, v7;
	v6 =	vld [tilespmem:s16+$0xC6A0];
	v4 =	vmov v18  }
0xd5: {  	v10 =	vadd.f32 v10, v9;
	v7 =	vld [tilespmem:s16+$0x166A0];
	v11 =	vadd.f32 v13, v11  }
0xd6: {  	v8 =	vld [tilespmem:s16+$0xC6B0]  }
0xd7: {  	s11 =	sadd.s32 $0x1, s11;
	v13 =	vadd.f32 v15, v14;
	v9 =	vld [tilespmem:s16+$0x166B0];
	v14 =	vadd.f32 v11, v10  }
0xd8: {  	v15 =	vmov s11;
	v10 =	vld [tilespmem:s16+$0xC6C0]  }
0xd9: {  	v15 =	vperm.xlane v12, v15;
	v11 =	vld [tilespmem:s16+$0x166C0];
	v14 =	vadd.f32 v14, v13  }
.Ltmp2:
0xda: {  	v12 =	vld [tilespmem:s16+$0xC6D0];
	(pc) =	sbr.rel @p1 .LBB2_7-.Ltmp2, $4  }
0xdb: {  	v13 =	vld [tilespmem:s16+$0x166D0];
	v16 =	vmul.f32 v14, v15  }
0xdc: {  	v14 =	vld [tilespmem:s16+$0xC6E0]  }
0xdd: {  	v15 =	vld [tilespmem:s16+$0x166E0];
	v0 =	vadd.f32 v16, v0  }
0xde: {  	s15 =	sadd.s32 $0x200, s15;
	v16 =	vld [tilespmem:s16+$0xC6F0]  }
0xdf: {  	_ = 	snop  }
0xe0: {  	s15 =	sadd.s32 $0x4, s17  }
0xe1: {  	s15 =	sand.u32 $0x1C0, s15  }
0xe2: {  	v17 =	vld [tilespmem:s16+$0x166F0];
	s15 =	sshrl.u32 s15, $0x2  }
0xe3: {  	s16 =	simm.s32 @!p0 $0x50;
	s17 =	simm.s32 @!p0 $0xC680;
	v18 =	vld.idx.msk [tilespmem:v5+s15+$0x0 ss:$0x1], $0xffff;
	s15 =	sadd.s32 @!p0 $0x1E0, s0  }
0xe4: {  	[tilespmem:s17], [sflag:$0x3] =	stream.indirect.gather @!p0 [hbm4b:s1+s16], $0x80, s15, s16, $0xb8;
	[tilespmem:$0x1B700] =	vst v63  }
0xe5: {  	s0 =	sadd.s32 @!p0 $0x2960, s0;
	s15 =	simm.s32 @!p0 $0x16680  }
0xe6: {  	[tilespmem:s15], [sflag:$0x3] =	stream.indirect.gather @!p0 [hbm4b:s1+s16], $0x80, s0, s16, $0xb8;
	[tilespmem:$0x1B700] =	vst v63  }
0xe7: {  	_ =	swait.ge [sflag:s28], $0x2800  }
0xe8: {  	[sflag:s28] =	ssyncset.done $0x0  }
0xe9: {  	[sflag:s28] =	ssyncadd.s32 $0xFFFFD800  }
0xea: {  	_ =	swait.ge [sflag:s28], $0x2800  }
0xeb: {  	[sflag:s28] =	ssyncset.done $0x0  }
0xec: {  	s18 =	simm.s32 $0x0;
	[sflag:s28] =	ssyncadd.s32 $0xFFFFD800  }
0xed: {  	v19 =	vld [tilespmem:s18+$0xEE80]  }
0xee: {  	v20 =	vld [tilespmem:s18+$0x18E80]  }
0xef: {  	v21 =	vld [tilespmem:s18+$0xEE90]  }
0xf0: {  	v22 =	vld [tilespmem:s18+$0x18E90]  }
0xf1: {  	v23 =	vld [tilespmem:s18+$0xEEA0]  }
0xf2: {  	v24 =	vld [tilespmem:s18+$0x18EA0]  }
0xf3: {  	v25 =	vld [tilespmem:s18+$0xEEB0]  }
0xf4: {  	v26 =	vld [tilespmem:s18+$0x18EB0]  }
0xf5: {  	v27 =	vld [tilespmem:s18+$0xEEC0]  }
0xf6: {  	v28 =	vld [tilespmem:s18+$0x18EC0]  }
0xf7: {  	v29 =	vld [tilespmem:s18+$0xEED0]  }
0xf8: {  	s19 =	smul.u32 $0x140, s2;
	v30 =	vld [tilespmem:s18+$0x18ED0]  }
0xf9: {  	v4 =	vmul.f32 v1, v4;
	v2 =	vmul.f32 v3, v2;
	v31 =	vld [tilespmem:s18+$0xEEE0]  }
0xfa: {  	v3 =	vmul.f32 v7, v6;
	v7 =	vmul.f32 v9, v8;
	s0 =	sshra.s32 s19, $0x2;
	v32 =	vld [tilespmem:s18+$0x18EE0]  }
0xfb: {  	v8 =	vmul.f32 v11, v10;
	v10 =	vmul.f32 v13, v12;
	s0 =	sadd.s32 $0x4F00, s0;
	v6 =	vld [tilespmem:s18+$0xEEF0]  }
0xfc: {  	v11 =	vmul.f32 v15, v14;
	v12 =	vmul.f32 v17, v16;
	v1 =	vmov s0;
	s0 =	simm.s32 $0x80;
	v9 =	vld [tilespmem:s18+$0x18EF0]  }
0xfd: {  	v13 =	vadd.f32 v2, v4;
	v7 =	vadd.f32 v7, v3;
	v5 =	vld [tilespmem:s0+$0xEE80]  }
0xfe: {  	v8 =	vadd.f32 v10, v8;
	v11 =	vadd.f32 v12, v11;
	v2 =	vld [tilespmem:s0+$0x18E80]  }
0xff: {  	v13 =	vadd.f32 v7, v13;
	v3 =	vld [tilespmem:s0+$0xEE90];
	v10 =	vmul.f32 v20, v19;
	v14 =	vmul.f32 v22, v21  }
0x100: {  	s2 =	simm.s32 $0x0;
	v11 =	vadd.f32 v11, v8;
	v4 =	vld [tilespmem:s0+$0x18E90];
	v12 =	vmul.f32 v24, v23;
	v15 =	vmul.f32 v26, v25  }
0x101: {  	s20 =	sand.u32 $0x1C0, s2;
	v7 =	vld [tilespmem:s0+$0x18EA0];
	v16 =	vmul.f32 v28, v27;
	v17 =	vmul.f32 v30, v29  }
0x102: {  	s15 =	sshrl.u32 s20, $0x2;
	v13 =	vadd.f32 v11, v13;
	v11 =	vld [tilespmem:s0+$0x18EC0];
	v8 =	vmul.f32 v32, v31;
	v9 =	vmul.f32 v9, v6  }
0x103: {  	v19 =	vld.idx.msk [tilespmem:v1+s15+$0x0 ss:$0x1], $0xffff;
	v10 =	vadd.f32 v14, v10;
	v12 =	vadd.f32 v15, v12  }
0x104: {  	s11 =	sadd.s32 $0x1, s11;
	v6 =	vld [tilespmem:s0+$0xEEA0];
	v14 =	vadd.f32 v17, v16;
	v15 =	vadd.f32 v9, v8  }
0x105: {  	v8 =	vld [tilespmem:s0+$0xEEB0];
	v16 =	vmov s11  }
0x106: {  	v9 =	vld [tilespmem:s0+$0x18EB0];
	v16 =	vperm.xlane v18, v16;
	v12 =	vadd.f32 v12, v10;
	v14 =	vadd.f32 v15, v14  }
0x107: {  	v10 =	vld [tilespmem:s0+$0xEEC0];
	v15 =	vmov s2  }
0x108: {  	v16 =	vmul.f32 v13, v16;
	v15 =	vperm.xlane v19, v15;
	v13 =	vld [tilespmem:s0+$0x18ED0];
	v14 =	vadd.f32 v14, v12  }
0x109: {  	v12 =	vld [tilespmem:s0+$0xEED0]  }
0x10a: {  	v0 =	vadd.f32 v16, v0;
	v16 =	vmul.f32 v14, v15;
	v14 =	vld [tilespmem:s0+$0xEEE0]  }
0x10b: {  	v15 =	vld [tilespmem:s0+$0x18EE0]  }
0x10c: {  	s15 =	simm.s32 $0x400;
	s11 =	simm.s32 $0x0;
	v0 =	vadd.f32 v16, v0;
	v16 =	vld [tilespmem:s0+$0xEEF0]  }
.LBB2_9:
0x10d: {  	p0 =	sne.s32 s15, $0x9E00;
	v17 =	vld [tilespmem:s0+$0x18EF0];
	s0 =	sshra.s32 s15, $0x2  }
0x10e: {  	v18 =	vld [tilespmem:s0+$0xEE80]  }
0x10f: {  	v5 =	vmul.f32 v2, v5;
	v19 =	vmul.f32 v4, v3;
	s2 =	sadd.s32 $0x4, s2;
	v2 =	vld [tilespmem:s0+$0x18E80]  }
0x110: {  	v7 =	vmul.f32 v7, v6;
	v8 =	vmul.f32 v9, v8;
	s16 =	sand.u32 $0x1C0, s2;
	v3 =	vld [tilespmem:s0+$0xEE90]  }
0x111: {  	v9 =	vmul.f32 v11, v10;
	v10 =	vmul.f32 v13, v12;
	s16 =	sshrl.u32 s16, $0x2;
	v4 =	vld [tilespmem:s0+$0x18E90]  }
0x112: {  	v11 =	vmul.f32 v15, v14;
	v12 =	vld.idx.msk [tilespmem:v1+s16+$0x0 ss:$0x1], $0xffff;
	v13 =	vmul.f32 v17, v16  }
0x113: {  	v14 =	vadd.f32 v19, v5;
	v15 =	vadd.f32 v8, v7;
	v6 =	vld [tilespmem:s0+$0xEEA0];
	v5 =	vmov v18  }
0x114: {  	v10 =	vadd.f32 v10, v9;
	v7 =	vld [tilespmem:s0+$0x18EA0];
	v11 =	vadd.f32 v13, v11  }
0x115: {  	v8 =	vld [tilespmem:s0+$0xEEB0]  }
0x116: {  	s11 =	sadd.s32 $0x1, s11;
	v13 =	vadd.f32 v15, v14;
	v9 =	vld [tilespmem:s0+$0x18EB0];
	v14 =	vadd.f32 v11, v10  }
0x117: {  	v15 =	vmov s11;
	v10 =	vld [tilespmem:s0+$0xEEC0]  }
0x118: {  	v15 =	vperm.xlane v12, v15;
	v11 =	vld [tilespmem:s0+$0x18EC0];
	v14 =	vadd.f32 v14, v13  }
.Ltmp3:
0x119: {  	v12 =	vld [tilespmem:s0+$0xEED0];
	(pc) =	sbr.rel @p0 .LBB2_9-.Ltmp3, $4  }
0x11a: {  	v13 =	vld [tilespmem:s0+$0x18ED0];
	v16 =	vmul.f32 v14, v15  }
0x11b: {  	v14 =	vld [tilespmem:s0+$0xEEE0]  }
0x11c: {  	v15 =	vld [tilespmem:s0+$0x18EE0];
	v0 =	vadd.f32 v16, v0  }
0x11d: {  	s15 =	sadd.s32 $0x200, s15;
	v16 =	vld [tilespmem:s0+$0xEEF0]  }
0x11e: {  	v17 =	vld [tilespmem:s0+$0x18EF0];
	_ =	sdelay $0x1  }
0x11f: {  	v2 =	vmul.f32 v2, v5;
	v3 =	vmul.f32 v4, v3  }
0x120: {  	s19 =	sadd.s32 $0x4, s2;
	v55 =	vmul.f32 v7, v6;
	v56 =	vmul.f32 v9, v8  }
0x121: {  	v57 =	vmul.f32 v11, v10;
	s0 =	sand.u32 $0x1C0, s19;
	v58 =	vmul.f32 v13, v12  }
0x122: {  	s0 =	sshrl.u32 s0, $0x2;
	v59 =	vmul.f32 v15, v14;
	v60 =	vmul.f32 v17, v16  }
0x123: {  	v2 =	vadd.f32 v3, v2;
	v3 =	vadd.f32 v56, v55;
	v1 =	vld.idx.msk [tilespmem:v1+s0+$0x0 ss:$0x1], $0xffff  }
0x124: {  	v61 =	vadd.f32 v58, v57;
	v62 =	vadd.f32 v60, v59;
	_ =	sdelay $0x1  }
0x125: {  	s20 =	sadd.s32 $0x1, s11;
	s31 =	sadd.s32 $0x1, s31;
	v2 =	vadd.f32 v3, v2;
	v3 =	vadd.f32 v62, v61  }
0x126: {  	v63 =	vmov s20;
	p0 =	sne.s32 s31, $0x1F  }
.Ltmp4:
0x127: {  	v1 =	vperm.xlane v1, v63;
	v2 =	vadd.f32 v3, v2;
	(pc) =	sbr.rel @p0 .LBB2_2-.Ltmp4, $3  }
0x128: {  	_ = 	snop  }
0x129: {  	v1 =	vmul.f32 v2, v1;
	_ =	sdelay $0x1  }
0x12a: {  	v0 =	vadd.f32 v1, v0  }
0x12b: {  	_ =	swait.ge [sflag:s24], $0x2800  }
0x12c: {  	[sflag:s24] =	ssyncset.done $0x0  }
0x12d: {  	[sflag:s24] =	ssyncadd.s32 $0xFFFFD800  }
0x12e: {  	_ =	swait.ge [sflag:s24], $0x2800  }
0x12f: {  	[sflag:s24] =	ssyncset.done $0x0  }
0x130: {  	s0 =	simm.s32 $0x76C0;
	[sflag:s24] =	ssyncadd.s32 $0xFFFFD800  }
0x131: {  	s2 =	simm.s32 $0x116C0;
	v3 =	vld [tilespmem:s0+$0xFFFFFFC0]  }
0x132: {  	v4 =	vld [tilespmem:s2+$0xFFFFFFC0]  }
0x133: {  	v6 =	vld [tilespmem:s0+$0xFFFFFFD0]  }
0x134: {  	v7 =	vld [tilespmem:s2+$0xFFFFFFD0]  }
0x135: {  	v8 =	vld [tilespmem:s0+$0xFFFFFFE0]  }
0x136: {  	v9 =	vld [tilespmem:s2+$0xFFFFFFE0]  }
0x137: {  	v10 =	vld [tilespmem:s0+$0xFFFFFFF0]  }
0x138: {  	v11 =	vld [tilespmem:s2+$0xFFFFFFF0]  }
0x139: {  	v12 =	vld [tilespmem:s0+$0x0]  }
0x13a: {  	v13 =	vld [tilespmem:s2+$0x0]  }
0x13b: {  	v14 =	vld [tilespmem:s0+$0x10]  }
0x13c: {  	v15 =	vld [tilespmem:s2+$0x10]  }
0x13d: {  	v16 =	vld [tilespmem:s0+$0x20]  }
0x13e: {  	v17 =	vld [tilespmem:s2+$0x20]  }
0x13f: {  	v18 =	vld [tilespmem:s0+$0x30]  }
0x140: {  	s11 =	simm.s32 $0x7740;
	v19 =	vld [tilespmem:s2+$0x30]  }
0x141: {  	v5 =	vld [tilespmem:s11+$0xFFFFFFC0]  }
0x142: {  	s2 =	simm.s32 $0x11740;
	v2 =	vld [tilespmem:s11+$0xFFFFFFD0]  }
0x143: {  	s0 =	simm.s32 $0x0;
	v1 =	vld [tilespmem:s2+$0xFFFFFFC0]  }
0x144: {  	s15 =	sand.u32 $0x1C0, s0;
	v20 =	vmul.f32 v4, v3;
	v7 =	vmul.f32 v7, v6;
	v3 =	vld [tilespmem:s2+$0xFFFFFFD0]  }
0x145: {  	s15 =	sshrl.u32 s15, $0x2;
	v8 =	vmul.f32 v9, v8;
	v9 =	vmul.f32 v11, v10;
	v4 =	vld [tilespmem:s11+$0xFFFFFFE0]  }
0x146: {  	v10 =	vmul.f32 v13, v12;
	v11 =	vmul.f32 v15, v14;
	v12 =	vld [tilespmem:s15+$0x75C0]  }
0x147: {  	v13 =	vmul.f32 v17, v16;
	v14 =	vmul.f32 v19, v18;
	v6 =	vld [tilespmem:s2+$0xFFFFFFE0]  }
0x148: {  	v15 =	vadd.f32 v7, v20;
	v16 =	vadd.f32 v9, v8;
	v7 =	vld [tilespmem:s11+$0xFFFFFFF0]  }
0x149: {  	v10 =	vadd.f32 v11, v10;
	v11 =	vadd.f32 v14, v13;
	v9 =	vld [tilespmem:s2+$0xFFFFFFF0]  }
0x14a: {  	v8 =	vld [tilespmem:s11+$0x0]  }
0x14b: {  	v13 =	vadd.f32 v16, v15;
	v14 =	vadd.f32 v11, v10;
	v10 =	vld [tilespmem:s2+$0x0]  }
0x14c: {  	v15 =	vmov s0;
	v11 =	vld [tilespmem:s11+$0x10]  }
0x14d: {  	v15 =	vperm.xlane v12, v15;
	v12 =	vld [tilespmem:s11+$0x20];
	v14 =	vadd.f32 v14, v13  }
0x14e: {  	v13 =	vld [tilespmem:s2+$0x10]  }
0x14f: {  	v16 =	vmul.f32 v14, v15;
	v14 =	vld [tilespmem:s2+$0x20]  }
0x150: {  	v15 =	vld [tilespmem:s11+$0x30]  }
0x151: {  	s16 =	simm.s32 $0x2;
	s15 =	simm.s32 $0x77C0;
	s11 =	simm.s32 $0x1;
	v0 =	vadd.f32 v16, v0;
	v16 =	vld [tilespmem:s2+$0x30]  }
.LBB2_12:
0x152: {  	v17 =	vld [tilespmem:s15+$0xFFFFFFC0];
	p0 =	sne.s32 s16, $0x4F;
	s2 =	sadd.s32 $0x80, s2  }
0x153: {  	v5 =	vmul.f32 v1, v5;
	v18 =	vmul.f32 v3, v2;
	v1 =	vld [tilespmem:s2+$0xFFFFFFC0]  }
0x154: {  	v6 =	vmul.f32 v6, v4;
	v7 =	vmul.f32 v9, v7;
	s0 =	sadd.s32 $0x4, s0;
	v2 =	vld [tilespmem:s15+$0xFFFFFFD0]  }
0x155: {  	v8 =	vmul.f32 v10, v8;
	v9 =	vmul.f32 v13, v11;
	s17 =	sand.u32 $0x1C0, s0;
	v3 =	vld [tilespmem:s2+$0xFFFFFFD0]  }
0x156: {  	s17 =	sshrl.u32 s17, $0x2;
	v10 =	vmul.f32 v14, v12;
	v4 =	vld [tilespmem:s15+$0xFFFFFFE0];
	v11 =	vmul.f32 v16, v15  }
0x157: {  	v13 =	vadd.f32 v18, v5;
	v14 =	vadd.f32 v7, v6;
	v12 =	vld [tilespmem:s17+$0x75C0];
	v5 =	vmov v17  }
0x158: {  	v8 =	vadd.f32 v9, v8;
	v6 =	vld [tilespmem:s2+$0xFFFFFFE0];
	v10 =	vadd.f32 v11, v10  }
0x159: {  	v7 =	vld [tilespmem:s15+$0xFFFFFFF0]  }
0x15a: {  	v11 =	vadd.f32 v14, v13;
	v9 =	vld [tilespmem:s2+$0xFFFFFFF0];
	v13 =	vadd.f32 v10, v8  }
0x15b: {  	v14 =	vmov s11;
	s11 =	smov.u32 s16;
	v8 =	vld [tilespmem:s15+$0x0]  }
0x15c: {  	v10 =	vld [tilespmem:s2+$0x0];
	v12 =	vperm.xlane v12, v14;
	v14 =	vadd.f32 v13, v11  }
0x15d: {  	v11 =	vld [tilespmem:s15+$0x10]  }
.Ltmp5:
0x15e: {  	v13 =	vld [tilespmem:s2+$0x10];
	v15 =	vmul.f32 v14, v12;
	(pc) =	sbr.rel @p0 .LBB2_12-.Ltmp5, $4  }
0x15f: {  	v12 =	vld [tilespmem:s15+$0x20]  }
0x160: {  	v14 =	vld [tilespmem:s2+$0x20];
	v0 =	vadd.f32 v15, v0  }
0x161: {  	v15 =	vld [tilespmem:s15+$0x30]  }
0x162: {  	s16 =	sadd.s32 $0x1, s16;
	s15 =	sadd.s32 $0x80, s15;
	v16 =	vld [tilespmem:s2+$0x30]  }
0x163: {  	_ = 	snop  }
0x164: {  	v1 =	vmul.f32 v1, v5;
	v2 =	vmul.f32 v3, v2  }
0x165: {  	v52 =	vmul.f32 v6, v4;
	v53 =	vmul.f32 v9, v7;
	s0 =	sadd.s32 $0x4, s0  }
0x166: {  	v54 =	vmul.f32 v10, v8;
	v55 =	vmul.f32 v13, v11;
	s0 =	sand.u32 $0x1C0, s0  }
0x167: {  	s0 =	sshrl.u32 s0, $0x2;
	v56 =	vmul.f32 v14, v12;
	v57 =	vmul.f32 v16, v15  }
0x168: {  	v1 =	vadd.f32 v2, v1;
	v59 =	vadd.f32 v53, v52;
	v58 =	vld [tilespmem:s0+$0x75C0]  }
0x169: {  	v60 =	vadd.f32 v55, v54;
	v61 =	vadd.f32 v57, v56;
	_ =	sdelay $0x1  }
0x16a: {  	v1 =	vadd.f32 v59, v1;
	v62 =	vadd.f32 v61, v60  }
0x16b: {  	v63 =	vmov s11  }
0x16c: {  	v3 =	vperm.xlane v58, v63;
	v1 =	vadd.f32 v62, v1;
	_ =	sdelay $0x1  }
0x16d: {  	v1 =	vmul.f32 v1, v3;
	_ =	sdelay $0x1  }
0x16e: {  	s30 =	sadd.s32 $0x1, s30;
	v0 =	vadd.f32 v1, v0  }
0x16f: {  	p0 =	sne.s32 s30, s8  }
.Ltmp6:
0x170: {  	[tilespmem:$0x1B680] =	vst v0;
	(pc) =	sbr.rel @p0 .LBB2_1-.Ltmp6, $4  }
0x171: {  	[hbm4b:s7+s3] =	stream.linear.scatter [tilespmem:s29], [sflag:$0x5], $0x80, $0x38;
	[tilespmem:$0x1B700] =	vst v63  }
0x172: {  	_ =	swait.ge [sflag:s9], $0x80  }
0x173: {  	[sflag:s9] =	ssyncset.done $0x0  }
0x174: {  	[sflag:s9] =	ssyncadd.s32 $0xFFFFFF80  }
0x175: {  	_ =	sfence.sel $0x180000  }
0x176: {  	[bflag:$0x0] =	sbarrier.arrive $0xFFFF  }
0x177: {  	_ =	strace $0x90000047  }
0x178: {  	s0 =	stileid.u32;
	[bflag:$0x2] =	sbarrier.arrive $0xFFFF  }
0x179: {  	p0 =	sne.s32 s0, $0x0;
	s0 =	rddreg [dreg:$0x3]  }
0x17a: {  	s0 =	sadd.s32 @!p0 $0x100000, s0  }
0x17b: {  	[sflag:s0] =	ssyncadd.tile.s32 @!p0 $0x1;
	_ =	shalt  }
.Lfunc_end2:
_tile_overlayer_lowered:
.L_overlay_start_2:
0x17c: {  	(tag) =	ssettag $0x2  }
0x17d: {  	s0 =	rddreg [dreg:$0x0];
	s2 =	stileid.u32  }
0x17e: {  	s1 =	rddreg [dreg:$0x1];
	p0 =	sne.s32 s2, $0x0  }
0x17f: {  	s3 =	rddreg [dreg:$0x2];
	[bflag:$0x3] =	sbarrier.arrive $0xFFFF;
	s2 =	simm.s32 @!p0 $0x1C05  }
0x180: {  	[timem:s3], [sflag:s2] =	dma.local @!p0 [hbm:s0], s1  }
0x181: {  	s0 =	simm.s32 @!p0 $0x5  }
0x182: {  	_ =	swait.ge @!p0 [sflag:s0], s1  }
0x183: {  	s1 =	ssub.s32 @!p0 $0x0, s1;
	[sflag:s0] =	ssyncset.done @!p0 $0x0  }
0x184: {  	[sflag:s0] =	ssyncadd.s32 @!p0 s1  }
0x185: {  	[bflag:$0x3] =	sbarrier.arrive $0xFFFF  }
0x186: {  	_ =	shalt  }

</sc_bundles>
